<compile_context>
chip_gen: v7x
topology: tpu7x:2x2x1
jax: 0.10.2.dev20260603
libtpu: 0.0.44.dev20260713+nightly
codegen_flags: <defaults>
</compile_context>

<pallas_src>
import functools

import jax
import jax.numpy as jnp
from jax import lax
from jax.experimental import pallas as pl
from jax.experimental.pallas import tpu as pltpu
from jax.experimental.pallas import tpu_sc as plsc

_CONF = 0.25
_IOU = 0.45
_MAXWH = 4096.0
_MAXDET = 300
_B, _N, _C = 4, 5000, 80
_T = 512
_NBLK = 10
_NP = _T * _NBLK
_G = 512
_NGRP = _NP // _G


def _score_body(pred_ref, out_ref):
    p = pred_ref[...]
    obj = p[:, 4:5]
    cls = p[:, 5:] * obj
    conf = jnp.max(cls, axis=1, keepdims=True)
    j = jnp.argmax(cls, axis=1).astype(jnp.float32)[:, None]
    xy = p[:, 0:2]
    half = p[:, 2:4] * 0.5
    b1 = xy - half
    b2 = xy + half
    valid = (obj > _CONF) & (conf > _CONF)
    score = jnp.where(valid, conf, -1.0)
    off = j * _MAXWH
    bo1 = jnp.where(valid, b1 + off, 0.0)
    bo2 = jnp.where(valid, b2 + off, 0.0)
    zero = jnp.zeros_like(conf)
    out_ref[...] = jnp.concatenate(
        [bo1, bo2, score, b1, b2, conf, j, zero, zero, zero, zero, zero],
        axis=1,
    )


def _colmat(v):
    ones = jnp.ones((1, 1), jnp.float32)
    return lax.dot_general(
        v, ones, (((0,), (0,)), ((), ())),
        precision=lax.Precision.HIGHEST,
        preferred_element_type=jnp.float32,
    )


def _iou_gt(px1, py1, px2, py2, parea, tx1, ty1, tx2, ty2, tarea):
    ltx = jnp.maximum(px1, tx1)
    lty = jnp.maximum(py1, ty1)
    rbx = jnp.minimum(px2, tx2)
    rby = jnp.minimum(py2, ty2)
    iw = jnp.maximum(rbx - ltx, 0.0)
    ih = jnp.maximum(rby - lty, 0.0)
    inter = iw * ih
    union = parea + tarea - inter
    return (inter / (union + 1e-9)) > _IOU


def _nms_body(c_ref, c2_ref, keep_ref, sup_ref, area2_ref):
    sup_ref[...] = jnp.zeros((_NBLK, 1, _T), jnp.float32)
    keep_ref[...] = jnp.zeros((_NBLK, 1, _T), jnp.float32)
    area2_ref[...] = (jnp.maximum(c2_ref[2] - c2_ref[0], 0.0)
                      * jnp.maximum(c2_ref[3] - c2_ref[1], 0.0))
    starts = c_ref[4][:, :, 0:1]
    nvb = jnp.sum(jnp.where(starts > 0.0, 1, 0))
    g_hi = (nvb * _T + _G - 1) // _G

    def block_body(k, _):
        tx1 = c_ref[0, k]
        ty1 = c_ref[1, k]
        tx2 = c_ref[2, k]
        ty2 = c_ref[3, k]
        tsc = c_ref[4, k]
        tarea = jnp.maximum(tx2 - tx1, 0.0) * jnp.maximum(ty2 - ty1, 0.0)
        px1 = _colmat(tx1)
        py1 = _colmat(ty1)
        px2 = _colmat(tx2)
        py2 = _colmat(ty2)
        parea = _colmat(tarea)
        s_gt = _iou_gt(px1, py1, px2, py2, parea, tx1, ty1, tx2, ty2, tarea)
        rows = lax.broadcasted_iota(jnp.int32, (_T, _T), 0)
        cols = lax.broadcasted_iota(jnp.int32, (_T, _T), 1)
        s_mat = jnp.where(s_gt & (rows < cols), 1.0, 0.0)
        active = jnp.where((tsc > 0.0) & (sup_ref[k] < 0.5), 1.0, 0.0)

        def fix_body(carry):
            _, cur = carry
            curc = _colmat(cur)
            hitc = jnp.max(s_mat * curc, axis=0, keepdims=True)
            nxt = active * jnp.where(hitc > 0.5, 0.0, 1.0)
            return (cur, nxt)

        def fix_cond(carry):
            prev, cur = carry
            return jnp.any(prev != cur)

        first = fix_body((active, active))
        _, keepk = lax.while_loop(fix_cond, fix_body, first)
        keep_ref[k] = keepk
        keepc = _colmat(keepk)

        g0 = (k + 1) * _T // _G

        def cross_body(g, _):
            ux1 = c2_ref[0, g]
            uy1 = c2_ref[1, g]
            ux2 = c2_ref[2, g]
            uy2 = c2_ref[3, g]
            uarea = area2_ref[g]
            hit = _iou_gt(px1, py1, px2, py2, parea, ux1, uy1, ux2, uy2, uarea)
            supg = jnp.max(jnp.where(hit, 1.0, 0.0) * keepc, axis=0, keepdims=True)
            for i in range(_G // _T):
                row = g * (_G // _T) + i
                sup_ref[row] = jnp.maximum(sup_ref[row], supg[:, i * _T:(i + 1) * _T])
            return 0

        lax.fori_loop(g0, g_hi, cross_body, 0)
        return 0

    lax.fori_loop(0, nvb, block_body, 0)


_NSEL = 320
_NW = 32
_RPW = _B * _NSEL // _NW


@functools.partial(
    pl.kernel,
    mesh=plsc.VectorSubcoreMesh(core_axis_name="c", subcore_axis_name="s"),
    out_type=jax.ShapeDtypeStruct((_B * _NSEL, 128), jnp.float32),
    scratch_types=[
        pltpu.VMEM((_RPW,), jnp.int32),
        pltpu.VMEM((_RPW, 128), jnp.float32),
        pltpu.SemaphoreType.DMA,
    ],
)
def _sc_gather(sel_hbm, tab_hbm, out_hbm, idx_v, rows_v, sem):
    wid = lax.axis_index("s") * 2 + lax.axis_index("c")
    base = wid * _RPW
    pltpu.sync_copy(sel_hbm.at[pl.ds(base, _RPW)], idx_v)
    pltpu.async_copy(tab_hbm.at[idx_v], rows_v, sem).wait()
    pltpu.sync_copy(rows_v, out_hbm.at[pl.ds(base, _RPW)])


def kernel(prediction, logits):
    B, N = _B, _N
    pred2 = prediction.reshape(B * N, 85)
    packed = pl.pallas_call(
        _score_body,
        grid=(10,),
        in_specs=[pl.BlockSpec((B * N // 10, 85), lambda i: (i, 0))],
        out_specs=pl.BlockSpec((B * N // 10, 16), lambda i: (i, 0)),
        out_shape=jax.ShapeDtypeStruct((B * N, 16), jnp.float32),
    )(pred2)
    pk3 = packed.reshape(B, N, 16)
    scores = pk3[:, :, 4]
    order = jnp.argsort(-scores, axis=1)
    srt = jnp.take_along_axis(pk3[:, :, 0:5], order[:, :, None], axis=1)
    pad = jnp.concatenate(
        [jnp.zeros((B, _NP - N, 4), jnp.float32),
         jnp.full((B, _NP - N, 1), -1.0, jnp.float32)], axis=2)
    srt = jnp.concatenate([srt, pad], axis=1)
    carr = jnp.moveaxis(srt, 2, 1)
    c1 = carr.reshape(B, 5, _NBLK, 1, _T)
    c2 = carr.reshape(B, 5, _NGRP, 1, _G)

    keep_f = pl.pallas_call(
        _nms_body,
        grid=(B,),
        in_specs=[
            pl.BlockSpec((None, 5, _NBLK, 1, _T), lambda b: (b, 0, 0, 0, 0)),
            pl.BlockSpec((None, 5, _NGRP, 1, _G), lambda b: (b, 0, 0, 0, 0)),
        ],
        out_specs=pl.BlockSpec((None, _NBLK, 1, _T), lambda b: (b, 0, 0, 0)),
        out_shape=jax.ShapeDtypeStruct((B, _NBLK, 1, _T), jnp.float32),
        scratch_shapes=[pltpu.VMEM((_NBLK, 1, _T), jnp.float32),
                        pltpu.VMEM((_NGRP, 1, _G), jnp.float32)],
    )(c1, c2)

    keep = keep_f.reshape(B, _NP)[:, :N] > 0.5
    pos = jnp.arange(N, dtype=jnp.int32)
    ck = jnp.cumsum(keep.astype(jnp.int32), axis=1)
    ktot = ck[:, -1:]
    rank = jnp.where(keep, ck - 1, ktot + pos[None, :] - ck)
    bidx = jnp.arange(B, dtype=jnp.int32)[:, None]
    sel = jnp.zeros((B, _MAXDET), jnp.int32).at[
        bidx, rank].set(order.astype(jnp.int32), mode="drop")
    vals = jnp.arange(_MAXDET, dtype=jnp.int32)[None, :] < ktot
    flat = sel + (jnp.arange(B, dtype=jnp.int32) * N)[:, None]
    flat_pad = jnp.concatenate(
        [flat, jnp.zeros((B, _NSEL - _MAXDET), jnp.int32)], axis=1).reshape(-1)
    table = jnp.concatenate(
        [logits.reshape(B * N, _C), packed,
         jnp.zeros((B * N, 128 - _C - 16), jnp.float32)], axis=1)
    rows = _sc_gather(flat_pad, table)
    rows = rows.reshape(B, _NSEL, 128)
    logs = rows[:, :_MAXDET, :_C]
    dets = rows[:, :_MAXDET, _C + 5:_C + 11]
    return (dets, logs, vals)

# --- scband reference (transcript-rebuilt; emitter-appended) ---
"""Pipeline reference for scband-yolov5-torch-object-detector-30056181137681 (READ-ONLY COPY).

The authoritative reference and input builder live on the scoring server;
editing this copy changes nothing except your own understanding.
"""

import jax, jax.numpy as jnp
import numpy as np

CONF_THRES = 0.25
IOU_THRES = 0.45
MAX_WH = 4096.0
MAX_DET = 300


def xywh2xyxy(x):
    xy = x[..., :2]
    wh = x[..., 2:4]
    return jnp.concatenate([xy - wh / 2.0, xy + wh / 2.0], axis=-1)


def box_iou_matrix(b):
    area = jnp.clip(b[:, 2] - b[:, 0], 0.0) * jnp.clip(b[:, 3] - b[:, 1], 0.0)
    lt = jnp.maximum(b[:, None, :2], b[None, :, :2])
    rb = jnp.minimum(b[:, None, 2:], b[None, :, 2:])
    wh = jnp.clip(rb - lt, 0.0)
    inter = wh[..., 0] * wh[..., 1]
    union = area[:, None] + area[None, :] - inter
    return inter / (union + 1e-9)


def nms_keep(boxes, scores, iou_thres):
    n = boxes.shape[0]
    iou = box_iou_matrix(boxes)

    def body(i, keep):
        sup = jnp.any((iou[i] > iou_thres) & keep)
        return keep.at[i].set(jnp.logical_and(jnp.logical_not(sup), scores[i] > 0.0))

    return jax.lax.fori_loop(0, n, body, jnp.zeros((n,), dtype=bool))


def setup_inputs(seed: int = 0):
    key = jax.random.key(seed)
    k1, k2 = jax.random.split(key)
    prediction = jax.random.uniform(k1, (4, 5000, 85), dtype=jnp.float32)
    # scale xywh to plausible pixel coords for a 640x640 image
    prediction = prediction.at[..., 0:2].multiply(640.0)
    prediction = prediction.at[..., 2:4].multiply(160.0)
    logits = jax.random.normal(k2, (4, 5000, 80), dtype=jnp.float32)
    return {"prediction": prediction, "logits": logits}


def reference(prediction, logits):
    # Faithful dense (fixed-size, mask-based) version of
    # YOLOV5TorchObjectDetector.non_max_suppression.
    cls_scores = prediction[..., 5:] * prediction[..., 4:5]  # x[:,5:] *= x[:,4:5]
    conf = jnp.max(cls_scores, axis=-1)
    j = jnp.argmax(cls_scores, axis=-1)
    box = xywh2xyxy(prediction[..., :4])
    valid = (prediction[..., 4] > CONF_THRES) & (conf > CONF_THRES)
    scores = jnp.where(valid, conf, -1.0)
    # class-offset trick (agnostic=False): offset boxes by class * max_wh
    boxes_off = box + (j.astype(jnp.float32) * MAX_WH)[..., None]
    boxes_off = jnp.where(valid[..., None], boxes_off, 0.0)  # degenerate invalid boxes
    dets, logs, vals = [], [], []
    B = prediction.shape[0]
    for b in range(B):
        order = jnp.argsort(-scores[b])
        bo = boxes_off[b][order]
        sc = scores[b][order]
        keep = nms_keep(jax.lax.stop_gradient(bo), jax.lax.stop_gradient(sc), IOU_THRES)
        kept_scores = jnp.where(keep, sc, -1.0)
        top_sc, top_i = jax.lax.top_k(kept_scores, MAX_DET)
        sel = order[top_i]
        det = jnp.concatenate(
            [box[b][sel], conf[b][sel][:, None], j[b][sel].astype(jnp.float32)[:, None]],
            axis=1,
        )
        dets.append(det)
        logs.append(logits[b][sel])
        vals.append(top_sc > 0.0)
    return (jnp.stack(dets), jnp.stack(logs), jnp.stack(vals))

if __name__ == "__main__":
    import jax
    _d = setup_inputs()
    print(jax.jit(kernel)(*tuple(_d.values())))

</pallas_src>

<mosaic_0001>
#map = affine_map<(d0, d1) -> (0)>
#map1 = affine_map<(d0, d1) -> (0, 0)>
module attributes {stable_mosaic.version = 14 : i64} {
  func.func @_sc_gather(%arg0: i32, %arg1: i32, %arg2: memref<1280xi32, #tpu.memory_space<hbm>>, %arg3: memref<20000x128xf32, #tpu.memory_space<hbm>>, %arg4: memref<1280x128xf32, #tpu.memory_space<hbm>>, %arg5: memref<40xi32, #tpu.memory_space<vmem>>, %arg6: memref<40x128xf32, #tpu.memory_space<vmem>>, %arg7: memref<!tpu.dma_semaphore, #tpu.memory_space<semaphore_mem>>) attributes {dimension_semantics = [#tpu.dimension_semantics<core_parallel>, #tpu.dimension_semantics<subcore_parallel>], iteration_bounds = array<i64: 2, 16>, scalar_prefetch = 0 : i64, scratch_operands = 3 : i64, tpu.core_type = #tpu.core_type<sc_vector_subcore>, window_params = [{transform_indices = #map}, {transform_indices = #map1}, {transform_indices = #map1}]} {
    %mul3A = arith.constant 2 : i32
    %mul3A_0 = arith.muli %arg1, %mul3A : i32
    %add3A = arith.addi %mul3A_0, %arg0 : i32
    %mul3A_1 = arith.constant 40 : i32
    %mul3A_2 = arith.muli %add3A, %mul3A_1 : i32
    "tpu.region"() ({
      %run_scoped3A = tpu.sem_alloc : memref<!tpu.dma_semaphore, #tpu.memory_space<semaphore_mem>>
      %dma_start3A_7 = tpu.memref_slice %arg2[%mul3A_2] : memref<1280xi32, #tpu.memory_space<hbm>> -> memref<40xi32, #tpu.memory_space<hbm>>
      %dma_start3A_8 = tpu.memref_slice %arg2[%mul3A_2] : memref<1280xi32, #tpu.memory_space<hbm>> -> memref<40xi32, #tpu.memory_space<hbm>>
      tpu.enqueue_dma source(%dma_start3A_8 : memref<40xi32, #tpu.memory_space<hbm>>) target(%arg5 : memref<40xi32, #tpu.memory_space<vmem>>) target_semaphore(%run_scoped3A : memref<!tpu.dma_semaphore, #tpu.memory_space<semaphore_mem>>)
      %dma_wait3A_9 = tpu.memref_slice %arg2[%mul3A_2] : memref<1280xi32, #tpu.memory_space<hbm>> -> memref<40xi32, #tpu.memory_space<hbm>>
      %dma_wait3A_10 = tpu.memref_slice %arg2[%mul3A_2] : memref<1280xi32, #tpu.memory_space<hbm>> -> memref<40xi32, #tpu.memory_space<hbm>>
      tpu.wait_dma2 semaphore(%run_scoped3A : memref<!tpu.dma_semaphore, #tpu.memory_space<semaphore_mem>>) src(%dma_wait3A_10 : memref<40xi32, #tpu.memory_space<hbm>>) dst(%arg5 : memref<40xi32, #tpu.memory_space<vmem>>)
      tpu.yield
    }) : () -> ()
    %dma_start3A = arith.constant 0 : i32
    %dma_start3A_3 = arith.constant 0 : i32
    %dma_start3A_4 = tpu.memref_slice %arg3[%dma_start3A, %dma_start3A_3] : memref<20000x128xf32, #tpu.memory_space<hbm>> -> memref<20000x128xf32, #tpu.memory_space<hbm>>
    tpu.enqueue_indirect_dma source(%dma_start3A_4 : memref<20000x128xf32, #tpu.memory_space<hbm>>) target(%arg6 : memref<40x128xf32, #tpu.memory_space<vmem>>) offsets(%arg5 : memref<40xi32, #tpu.memory_space<vmem>>) semaphore(%arg7 : memref<!tpu.dma_semaphore, #tpu.memory_space<semaphore_mem>>)
    %dma_wait3A = arith.constant 0 : i32
    %dma_wait3A_5 = arith.constant 0 : i32
    %dma_wait3A_6 = tpu.memref_slice %arg3[%dma_wait3A, %dma_wait3A_5] : memref<20000x128xf32, #tpu.memory_space<hbm>> -> memref<20000x128xf32, #tpu.memory_space<hbm>>
    tpu.wait_indirect_dma semaphore(%arg7 : memref<!tpu.dma_semaphore, #tpu.memory_space<semaphore_mem>>) src(%dma_wait3A_6 : memref<20000x128xf32, #tpu.memory_space<hbm>>) dst(%arg6 : memref<40x128xf32, #tpu.memory_space<vmem>>)
    "tpu.region"() ({
      %run_scoped3A = tpu.sem_alloc : memref<!tpu.dma_semaphore, #tpu.memory_space<semaphore_mem>>
      %dma_start3A_7 = arith.constant 0 : i32
      %dma_start3A_8 = tpu.memref_slice %arg4[%mul3A_2, %dma_start3A_7] : memref<1280x128xf32, #tpu.memory_space<hbm>> -> memref<40x128xf32, #tpu.memory_space<hbm>>
      %dma_start3A_9 = arith.constant 0 : i32
      %dma_start3A_10 = tpu.memref_slice %arg4[%mul3A_2, %dma_start3A_9] : memref<1280x128xf32, #tpu.memory_space<hbm>> -> memref<40x128xf32, #tpu.memory_space<hbm>>
      tpu.enqueue_dma source(%arg6 : memref<40x128xf32, #tpu.memory_space<vmem>>) target(%dma_start3A_10 : memref<40x128xf32, #tpu.memory_space<hbm>>) target_semaphore(%run_scoped3A : memref<!tpu.dma_semaphore, #tpu.memory_space<semaphore_mem>>)
      %dma_wait3A_11 = arith.constant 0 : i32
      %dma_wait3A_12 = tpu.memref_slice %arg4[%mul3A_2, %dma_wait3A_11] : memref<1280x128xf32, #tpu.memory_space<hbm>> -> memref<40x128xf32, #tpu.memory_space<hbm>>
      %dma_wait3A_13 = arith.constant 0 : i32
      %dma_wait3A_14 = tpu.memref_slice %arg4[%mul3A_2, %dma_wait3A_13] : memref<1280x128xf32, #tpu.memory_space<hbm>> -> memref<40x128xf32, #tpu.memory_space<hbm>>
      tpu.wait_dma2 semaphore(%run_scoped3A : memref<!tpu.dma_semaphore, #tpu.memory_space<semaphore_mem>>) src(%arg6 : memref<40x128xf32, #tpu.memory_space<vmem>>) dst(%dma_wait3A_14 : memref<40x128xf32, #tpu.memory_space<hbm>>)
      tpu.yield
    }) : () -> ()
    return
  }
}

module attributes {stable_mosaic.version = 14 : i64} {
  func.func @_score_body(%arg0: i32, %arg1: memref<2000x85xf32, #tpu.memory_space<vmem>>, %arg2: memref<2000x16xf32, #tpu.memory_space<vmem>>) attributes {dimension_semantics = [#tpu.dimension_semantics<arbitrary>], iteration_bounds = array<i64: 10>, scalar_prefetch = 0 : i64, scratch_operands = 0 : i64, tpu.core_type = #tpu.core_type<tc>, window_params = [{transform_indices = @transform_0, window_bounds = array<i64: 2000, 85>}, {transform_indices = @transform_1, window_bounds = array<i64: 2000, 16>}]} {
    %get3A = arith.constant 0 : index
    %get3A_0 = arith.constant 0 : index
    %get3A_1 = vector.load %arg1[%get3A, %get3A_0] : memref<2000x85xf32, #tpu.memory_space<vmem>>, vector<2000x85xf32>
    %slice3A = vector.extract_strided_slice %get3A_1 {offsets = [0, 4], sizes = [2000, 1], strides = [1, 1]} : vector<2000x85xf32> to vector<2000x1xf32>
    %slice3A_2 = vector.extract_strided_slice %get3A_1 {offsets = [0, 5], sizes = [2000, 80], strides = [1, 1]} : vector<2000x85xf32> to vector<2000x80xf32>
    %mul3A = vector.broadcast %slice3A : vector<2000x1xf32> to vector<2000x80xf32>
    %mul3A_3 = arith.mulf %slice3A_2, %mul3A : vector<2000x80xf32>
    %reduce_max3A = arith.constant dense<0xFF800000> : vector<2000xf32>
    %reduce_max3A_4 = vector.multi_reduction <maximumf>, %mul3A_3, %reduce_max3A [1] : vector<2000x80xf32> to vector<2000xf32>
    %broadcast_in_dim3A = vector.shape_cast %reduce_max3A_4 : vector<2000xf32> to vector<2000x1xf32>
    %argmax3A = tpu.reduce_index %mul3A_3 {axis = 1 : i32, kind = #tpu.reduction_kind<arg_max>} : vector<2000x80xf32> -> vector<2000xi32>
    %convert_element_type3A = arith.sitofp %argmax3A : vector<2000xi32> to vector<2000xf32>
    %broadcast_in_dim3A_5 = vector.shape_cast %convert_element_type3A : vector<2000xf32> to vector<2000x1xf32>
    %slice3A_6 = vector.extract_strided_slice %get3A_1 {offsets = [0, 0], sizes = [2000, 2], strides = [1, 1]} : vector<2000x85xf32> to vector<2000x2xf32>
    %slice3A_7 = vector.extract_strided_slice %get3A_1 {offsets = [0, 2], sizes = [2000, 2], strides = [1, 1]} : vector<2000x85xf32> to vector<2000x2xf32>
    %mul3A_8 = arith.constant 5.000000e-01 : f32
    %mul3A_9 = vector.broadcast %mul3A_8 : f32 to vector<2000x2xf32>
    %mul3A_10 = arith.mulf %slice3A_7, %mul3A_9 : vector<2000x2xf32>
    %sub3A = arith.subf %slice3A_6, %mul3A_10 : vector<2000x2xf32>
    %add3A = arith.addf %slice3A_6, %mul3A_10 : vector<2000x2xf32>
    %gt3A = arith.constant 2.500000e-01 : f32
    %gt3A_11 = vector.broadcast %gt3A : f32 to vector<2000x1xf32>
    %gt3A_12 = arith.cmpf ogt, %slice3A, %gt3A_11 : vector<2000x1xf32>
    %gt3A_13 = arith.constant 2.500000e-01 : f32
    %gt3A_14 = vector.broadcast %gt3A_13 : f32 to vector<2000x1xf32>
    %gt3A_15 = arith.cmpf ogt, %broadcast_in_dim3A, %gt3A_14 : vector<2000x1xf32>
    %and3A = arith.andi %gt3A_12, %gt3A_15 : vector<2000x1xi1>
    %jit3A = arith.constant -1.000000e+00 : f32
    %broadcast_in_dim3A_16 = vector.broadcast %jit3A : f32 to vector<2000x1xf32>
    %select_n3A = arith.select %and3A, %broadcast_in_dim3A, %broadcast_in_dim3A_16 : vector<2000x1xi1>, vector<2000x1xf32>
    %mul3A_17 = arith.constant 4.096000e+03 : f32
    %mul3A_18 = vector.broadcast %mul3A_17 : f32 to vector<2000x1xf32>
    %mul3A_19 = arith.mulf %broadcast_in_dim3A_5, %mul3A_18 : vector<2000x1xf32>
    %add3A_20 = vector.broadcast %mul3A_19 : vector<2000x1xf32> to vector<2000x2xf32>
    %add3A_21 = arith.addf %sub3A, %add3A_20 : vector<2000x2xf32>
    %jit3A_22 = arith.constant 0.000000e+00 : f32
    %broadcast_in_dim3A_23 = vector.shape_cast %and3A : vector<2000x1xi1> to vector<2000x1xi1>
    %broadcast_in_dim3A_24 = vector.broadcast %broadcast_in_dim3A_23 : vector<2000x1xi1> to vector<2000x2xi1>
    %broadcast_in_dim3A_25 = vector.broadcast %jit3A_22 : f32 to vector<2000x2xf32>
    %select_n3A_26 = arith.select %broadcast_in_dim3A_24, %add3A_21, %broadcast_in_dim3A_25 : vector<2000x2xi1>, vector<2000x2xf32>
    %add3A_27 = vector.broadcast %mul3A_19 : vector<2000x1xf32> to vector<2000x2xf32>
    %add3A_28 = arith.addf %add3A, %add3A_27 : vector<2000x2xf32>
    %jit3A_29 = arith.constant 0.000000e+00 : f32
    %broadcast_in_dim3A_30 = vector.shape_cast %and3A : vector<2000x1xi1> to vector<2000x1xi1>
    %broadcast_in_dim3A_31 = vector.broadcast %broadcast_in_dim3A_30 : vector<2000x1xi1> to vector<2000x2xi1>
    %broadcast_in_dim3A_32 = vector.broadcast %jit3A_29 : f32 to vector<2000x2xf32>
    %select_n3A_33 = arith.select %broadcast_in_dim3A_31, %add3A_28, %broadcast_in_dim3A_32 : vector<2000x2xi1>, vector<2000x2xf32>
    %broadcast_in_dim3A_34 = arith.constant 0.000000e+00 : f32
    %broadcast_in_dim3A_35 = vector.broadcast %broadcast_in_dim3A_34 : f32 to vector<2000x1xf32>
    %concatenate3A = tpu.concatenate %select_n3A_26, %select_n3A_33, %select_n3A, %sub3A, %add3A, %broadcast_in_dim3A, %broadcast_in_dim3A_5, %broadcast_in_dim3A_35, %broadcast_in_dim3A_35, %broadcast_in_dim3A_35, %broadcast_in_dim3A_35, %broadcast_in_dim3A_35 in 1 : vector<2000x2xf32>, vector<2000x2xf32>, vector<2000x1xf32>, vector<2000x2xf32>, vector<2000x2xf32>, vector<2000x1xf32>, vector<2000x1xf32>, vector<2000x1xf32>, vector<2000x1xf32>, vector<2000x1xf32>, vector<2000x1xf32>, vector<2000x1xf32> -> vector<2000x16xf32>
    %swap3A = arith.constant 0 : index
    %swap3A_36 = arith.constant 0 : index
    %swap3A_37 = vector.load %arg2[%swap3A, %swap3A_36] : memref<2000x16xf32, #tpu.memory_space<vmem>>, vector<2000x16xf32>
    tpu.vector_store %arg2[%swap3A, %swap3A_36], %concatenate3A {strides = array<i32>} : memref<2000x16xf32, #tpu.memory_space<vmem>>, vector<2000x16xf32>,
    return
  }
  func.func @transform_0(%arg0: i32) -> (i32, i32) {
    %c0_i32 = arith.constant 0 : i32
    %c0_i32_0 = arith.constant 0 : i32
    return %arg0, %c0_i32 : i32, i32
  }
  func.func @transform_1(%arg0: i32) -> (i32, i32) {
    %c0_i32 = arith.constant 0 : i32
    %c0_i32_0 = arith.constant 0 : i32
    return %arg0, %c0_i32 : i32, i32
  }
}

module attributes {stable_mosaic.version = 14 : i64} {
  func.func @_nms_body(%arg0: i32, %arg1: memref<1x5x10x1x512xf32, #tpu.memory_space<vmem>>, %arg2: memref<1x5x10x1x512xf32, #tpu.memory_space<vmem>>, %arg3: memref<1x10x1x512xf32, #tpu.memory_space<vmem>>, %arg4: memref<10x1x512xf32, #tpu.memory_space<vmem>>, %arg5: memref<10x1x512xf32, #tpu.memory_space<vmem>>) attributes {dimension_semantics = [#tpu.dimension_semantics<arbitrary>], iteration_bounds = array<i64: 4>, scalar_prefetch = 0 : i64, scratch_operands = 2 : i64, tpu.core_type = #tpu.core_type<tc>, window_params = [{transform_indices = @transform_0, window_bounds = array<i64: 1, 5, 10, 1, 512>}, {transform_indices = @transform_1, window_bounds = array<i64: 1, 5, 10, 1, 512>}, {transform_indices = @transform_2, window_bounds = array<i64: 1, 10, 1, 512>}]} {
    %broadcast_in_dim3A = arith.constant 0.000000e+00 : f32
    %broadcast_in_dim3A_0 = vector.broadcast %broadcast_in_dim3A : f32 to vector<10x1x512xf32>
    %swap3A = arith.constant 0 : index
    %swap3A_1 = arith.constant 0 : index
    %swap3A_2 = arith.constant 0 : index
    %swap3A_3 = vector.load %arg4[%swap3A, %swap3A_1, %swap3A_2] : memref<10x1x512xf32, #tpu.memory_space<vmem>>, vector<10x1x512xf32>
    tpu.vector_store %arg4[%swap3A, %swap3A_1, %swap3A_2], %broadcast_in_dim3A_0 {strides = array<i32>} : memref<10x1x512xf32, #tpu.memory_space<vmem>>, vector<10x1x512xf32>,
    %broadcast_in_dim3A_4 = arith.constant 0.000000e+00 : f32
    %broadcast_in_dim3A_5 = vector.broadcast %broadcast_in_dim3A_4 : f32 to vector<10x1x512xf32>
    %swap3A_6 = arith.constant 0 : index
    %swap3A_7 = arith.constant 0 : index
    %swap3A_8 = arith.constant 0 : index
    %swap3A_9 = arith.constant 0 : index
    %swap3A_10 = vector.load %arg3[%swap3A_6, %swap3A_7, %swap3A_8, %swap3A_9] : memref<1x10x1x512xf32, #tpu.memory_space<vmem>>, vector<1x10x1x512xf32>
    %swap3A_11 = vector.shape_cast %swap3A_10 : vector<1x10x1x512xf32> to vector<10x1x512xf32>
    %swap3A_12 = vector.shape_cast %broadcast_in_dim3A_5 : vector<10x1x512xf32> to vector<1x10x1x512xf32>
    tpu.vector_store %arg3[%swap3A_6, %swap3A_7, %swap3A_8, %swap3A_9], %swap3A_12 {strides = array<i32>} : memref<1x10x1x512xf32, #tpu.memory_space<vmem>>, vector<1x10x1x512xf32>,
    %get3A = arith.constant 0 : index
    %get3A_13 = arith.constant 2 : index
    %get3A_14 = arith.constant 0 : index
    %get3A_15 = arith.constant 0 : index
    %get3A_16 = arith.constant 0 : index
    %get3A_17 = vector.load %arg2[%get3A, %get3A_13, %get3A_14, %get3A_15, %get3A_16] : memref<1x5x10x1x512xf32, #tpu.memory_space<vmem>>, vector<1x1x10x1x512xf32>
    %get3A_18 = vector.shape_cast %get3A_17 : vector<1x1x10x1x512xf32> to vector<10x1x512xf32>
    %get3A_19 = arith.constant 0 : index
    %get3A_20 = arith.constant 0 : index
    %get3A_21 = arith.constant 0 : index
    %get3A_22 = arith.constant 0 : index
    %get3A_23 = arith.constant 0 : index
    %get3A_24 = vector.load %arg2[%get3A_19, %get3A_20, %get3A_21, %get3A_22, %get3A_23] : memref<1x5x10x1x512xf32, #tpu.memory_space<vmem>>, vector<1x1x10x1x512xf32>
    %get3A_25 = vector.shape_cast %get3A_24 : vector<1x1x10x1x512xf32> to vector<10x1x512xf32>
    %sub3A = arith.subf %get3A_18, %get3A_25 : vector<10x1x512xf32>
    %max3A = arith.constant 0.000000e+00 : f32
    %max3A_26 = vector.broadcast %max3A : f32 to vector<10x1x512xf32>
    %max3A_27 = arith.maximumf %sub3A, %max3A_26 : vector<10x1x512xf32>
    %get3A_28 = arith.constant 0 : index
    %get3A_29 = arith.constant 3 : index
    %get3A_30 = arith.constant 0 : index
    %get3A_31 = arith.constant 0 : index
    %get3A_32 = arith.constant 0 : index
    %get3A_33 = vector.load %arg2[%get3A_28, %get3A_29, %get3A_30, %get3A_31, %get3A_32] : memref<1x5x10x1x512xf32, #tpu.memory_space<vmem>>, vector<1x1x10x1x512xf32>
    %get3A_34 = vector.shape_cast %get3A_33 : vector<1x1x10x1x512xf32> to vector<10x1x512xf32>
    %get3A_35 = arith.constant 0 : index
    %get3A_36 = arith.constant 1 : index
    %get3A_37 = arith.constant 0 : index
    %get3A_38 = arith.constant 0 : index
    %get3A_39 = arith.constant 0 : index
    %get3A_40 = vector.load %arg2[%get3A_35, %get3A_36, %get3A_37, %get3A_38, %get3A_39] : memref<1x5x10x1x512xf32, #tpu.memory_space<vmem>>, vector<1x1x10x1x512xf32>
    %get3A_41 = vector.shape_cast %get3A_40 : vector<1x1x10x1x512xf32> to vector<10x1x512xf32>
    %sub3A_42 = arith.subf %get3A_34, %get3A_41 : vector<10x1x512xf32>
    %max3A_43 = arith.constant 0.000000e+00 : f32
    %max3A_44 = vector.broadcast %max3A_43 : f32 to vector<10x1x512xf32>
    %max3A_45 = arith.maximumf %sub3A_42, %max3A_44 : vector<10x1x512xf32>
    %mul3A = arith.mulf %max3A_27, %max3A_45 : vector<10x1x512xf32>
    %swap3A_46 = arith.constant 0 : index
    %swap3A_47 = arith.constant 0 : index
    %swap3A_48 = arith.constant 0 : index
    %swap3A_49 = vector.load %arg5[%swap3A_46, %swap3A_47, %swap3A_48] : memref<10x1x512xf32, #tpu.memory_space<vmem>>, vector<10x1x512xf32>
    tpu.vector_store %arg5[%swap3A_46, %swap3A_47, %swap3A_48], %mul3A {strides = array<i32>} : memref<10x1x512xf32, #tpu.memory_space<vmem>>, vector<10x1x512xf32>,
    %get3A_50 = arith.constant 0 : index
    %get3A_51 = arith.constant 4 : index
    %get3A_52 = arith.constant 0 : index
    %get3A_53 = arith.constant 0 : index
    %get3A_54 = arith.constant 0 : index
    %get3A_55 = vector.load %arg1[%get3A_50, %get3A_51, %get3A_52, %get3A_53, %get3A_54] : memref<1x5x10x1x512xf32, #tpu.memory_space<vmem>>, vector<1x1x10x1x512xf32>
    %get3A_56 = vector.shape_cast %get3A_55 : vector<1x1x10x1x512xf32> to vector<10x1x512xf32>
    %slice3A = vector.extract_strided_slice %get3A_56 {offsets = [0, 0, 0], sizes = [10, 1, 1], strides = [1, 1, 1]} : vector<10x1x512xf32> to vector<10x1x1xf32>
    %gt3A = arith.constant 0.000000e+00 : f32
    %gt3A_57 = vector.broadcast %gt3A : f32 to vector<10x1x1xf32>
    %gt3A_58 = arith.cmpf ogt, %slice3A, %gt3A_57 : vector<10x1x1xf32>
    %jit3A = arith.constant 1 : i32
    %jit3A_59 = arith.constant 0 : i32
    %broadcast_in_dim3A_60 = vector.broadcast %jit3A : i32 to vector<10x1x1xi32>
    %broadcast_in_dim3A_61 = vector.broadcast %jit3A_59 : i32 to vector<10x1x1xi32>
    %select_n3A = arith.select %gt3A_58, %broadcast_in_dim3A_60, %broadcast_in_dim3A_61 : vector<10x1x1xi1>, vector<10x1x1xi32>
    %reduce_sum3A = vector.shape_cast %select_n3A : vector<10x1x1xi32> to vector<1x10x1x1xi32>
    %reduce_sum3A_62 = arith.constant dense<0> : vector<1xi32>
    %reduce_sum3A_63 = vector.multi_reduction <add>, %reduce_sum3A, %reduce_sum3A_62 [1, 2, 3] : vector<1x10x1x1xi32> to vector<1xi32>
    %reduce_sum3A_64 = vector.shape_cast %reduce_sum3A_63 : vector<1xi32> to vector<1x1x1x1xi32>
    %reduce_sum3A_65 = vector.extract %reduce_sum3A_64[0, 0, 0, 0] : i32 from vector<1x1x1x1xi32>
    %mul3A_66 = arith.constant 512 : i32
    %mul3A_67 = arith.muli %reduce_sum3A_65, %mul3A_66 : i32
    %add3A = arith.constant 512 : i32
    %add3A_68 = arith.addi %mul3A_67, %add3A : i32
    %sub3A_69 = arith.constant 1 : i32
    %sub3A_70 = arith.subi %add3A_68, %sub3A_69 : i32
    %jit3A_71 = arith.constant 512 : i32
    %div3A = arith.divsi %sub3A_70, %jit3A_71 : i32
    %sign3A = arith.constant 0 : i32
    %sign3A_72 = arith.cmpi sgt, %sub3A_70, %sign3A : i32
    %sign3A_73 = arith.extui %sign3A_72 : i1 to i32
    %sign3A_74 = arith.constant 0 : i32
    %sign3A_75 = arith.cmpi slt, %sub3A_70, %sign3A_74 : i32
    %sign3A_76 = arith.extui %sign3A_75 : i1 to i32
    %sign3A_77 = arith.subi %sign3A_73, %sign3A_76 : i32
    %sign3A_78 = arith.constant 0 : i32
    %sign3A_79 = arith.cmpi sgt, %jit3A_71, %sign3A_78 : i32
    %sign3A_80 = arith.extui %sign3A_79 : i1 to i32
    %sign3A_81 = arith.constant 0 : i32
    %sign3A_82 = arith.cmpi slt, %jit3A_71, %sign3A_81 : i32
    %sign3A_83 = arith.extui %sign3A_82 : i1 to i32
    %sign3A_84 = arith.subi %sign3A_80, %sign3A_83 : i32
    %ne3A = arith.cmpi ne, %sign3A_77, %sign3A_84 : i32
    %rem3A = arith.remsi %sub3A_70, %jit3A_71 : i32
    %ne3A_85 = arith.constant 0 : i32
    %ne3A_86 = arith.cmpi ne, %rem3A, %ne3A_85 : i32
    %and3A = arith.andi %ne3A, %ne3A_86 : i1
    %sub3A_87 = arith.constant 1 : i32
    %sub3A_88 = arith.subi %div3A, %sub3A_87 : i32
    %select_n3A_89 = arith.select %and3A, %sub3A_88, %div3A : i32
    %while3A = arith.constant 0 : i32
    %while3A_90 = arith.constant 0 : i32
    %while3A_91 = arith.subi %reduce_sum3A_65, %while3A : i32
    %while3A_92 = arith.addi %while3A, %while3A_91 : i32
    %while3A_93 = arith.constant 1 : i32
    %while3A_94 = arith.divsi %while3A_91, %while3A_93 : i32
    %while3A_95 = arith.muli %while3A_94, %while3A_93 : i32
    %while3A_96 = arith.addi %while3A, %while3A_95 : i32
    %while3A_97 = arith.constant 1 : i32
    %while3A_98 = scf.for %while3A_101 = %while3A to %while3A_96 step %while3A_97 iter_args(%while3A_102 = %while3A_90) -> (i32)  : i32 {
      %get3A_103 = arith.constant 0 : index
      %get3A_104 = arith.constant 0 : index
      %get3A_105 = arith.index_cast %while3A_101 : i32 to index
      %get3A_106 = arith.constant 0 : index
      %get3A_107 = arith.constant 0 : index
      %get3A_108 = vector.load %arg1[%get3A_103, %get3A_104, %get3A_105, %get3A_106, %get3A_107] : memref<1x5x10x1x512xf32, #tpu.memory_space<vmem>>, vector<1x1x1x1x512xf32>
      %get3A_109 = vector.shape_cast %get3A_108 : vector<1x1x1x1x512xf32> to vector<1x512xf32>
      %get3A_110 = arith.constant 0 : index
      %get3A_111 = arith.constant 1 : index
      %get3A_112 = arith.index_cast %while3A_101 : i32 to index
      %get3A_113 = arith.constant 0 : index
      %get3A_114 = arith.constant 0 : index
      %get3A_115 = vector.load %arg1[%get3A_110, %get3A_111, %get3A_112, %get3A_113, %get3A_114] : memref<1x5x10x1x512xf32, #tpu.memory_space<vmem>>, vector<1x1x1x1x512xf32>
      %get3A_116 = vector.shape_cast %get3A_115 : vector<1x1x1x1x512xf32> to vector<1x512xf32>
      %get3A_117 = arith.constant 0 : index
      %get3A_118 = arith.constant 2 : index
      %get3A_119 = arith.index_cast %while3A_101 : i32 to index
      %get3A_120 = arith.constant 0 : index
      %get3A_121 = arith.constant 0 : index
      %get3A_122 = vector.load %arg1[%get3A_117, %get3A_118, %get3A_119, %get3A_120, %get3A_121] : memref<1x5x10x1x512xf32, #tpu.memory_space<vmem>>, vector<1x1x1x1x512xf32>
      %get3A_123 = vector.shape_cast %get3A_122 : vector<1x1x1x1x512xf32> to vector<1x512xf32>
      %get3A_124 = arith.constant 0 : index
      %get3A_125 = arith.constant 3 : index
      %get3A_126 = arith.index_cast %while3A_101 : i32 to index
      %get3A_127 = arith.constant 0 : index
      %get3A_128 = arith.constant 0 : index
      %get3A_129 = vector.load %arg1[%get3A_124, %get3A_125, %get3A_126, %get3A_127, %get3A_128] : memref<1x5x10x1x512xf32, #tpu.memory_space<vmem>>, vector<1x1x1x1x512xf32>
      %get3A_130 = vector.shape_cast %get3A_129 : vector<1x1x1x1x512xf32> to vector<1x512xf32>
      %get3A_131 = arith.constant 0 : index
      %get3A_132 = arith.constant 4 : index
      %get3A_133 = arith.index_cast %while3A_101 : i32 to index
      %get3A_134 = arith.constant 0 : index
      %get3A_135 = arith.constant 0 : index
      %get3A_136 = vector.load %arg1[%get3A_131, %get3A_132, %get3A_133, %get3A_134, %get3A_135] : memref<1x5x10x1x512xf32, #tpu.memory_space<vmem>>, vector<1x1x1x1x512xf32>
      %get3A_137 = vector.shape_cast %get3A_136 : vector<1x1x1x1x512xf32> to vector<1x512xf32>
      %sub3A_138 = arith.subf %get3A_123, %get3A_109 : vector<1x512xf32>
      %max3A_139 = arith.constant 0.000000e+00 : f32
      %max3A_140 = vector.broadcast %max3A_139 : f32 to vector<1x512xf32>
      %max3A_141 = arith.maximumf %sub3A_138, %max3A_140 : vector<1x512xf32>
      %sub3A_142 = arith.subf %get3A_130, %get3A_116 : vector<1x512xf32>
      %max3A_143 = arith.constant 0.000000e+00 : f32
      %max3A_144 = vector.broadcast %max3A_143 : f32 to vector<1x512xf32>
      %max3A_145 = arith.maximumf %sub3A_142, %max3A_144 : vector<1x512xf32>
      %mul3A_146 = arith.mulf %max3A_141, %max3A_145 : vector<1x512xf32>
      %broadcast_in_dim3A_147 = arith.constant 1.000000e+00 : f32
      %broadcast_in_dim3A_148 = vector.broadcast %broadcast_in_dim3A_147 : f32 to vector<1x1xf32>
      %dot_general3A = arith.constant dense<0.000000e+00> : vector<512x1xf32>
      %dot_general3A_149 = tpu.matmul %get3A_109, %broadcast_in_dim3A_148, %dot_general3A {dimension_numbers = #tpu.dot_dimension_numbers<[0], [0], [1], [1], [0, 1, 1, 1], [], []>, precision = #tpu.contract_precision<fp32>, transpose_lhs_hint = false} : vector<1x512xf32>, vector<1x1xf32>, vector<512x1xf32> -> vector<512x1xf32>
      %broadcast_in_dim3A_150 = arith.constant 1.000000e+00 : f32
      %broadcast_in_dim3A_151 = vector.broadcast %broadcast_in_dim3A_150 : f32 to vector<1x1xf32>
      %dot_general3A_152 = arith.constant dense<0.000000e+00> : vector<512x1xf32>
      %dot_general3A_153 = tpu.matmul %get3A_116, %broadcast_in_dim3A_151, %dot_general3A_152 {dimension_numbers = #tpu.dot_dimension_numbers<[0], [0], [1], [1], [0, 1, 1, 1], [], []>, precision = #tpu.contract_precision<fp32>, transpose_lhs_hint = false} : vector<1x512xf32>, vector<1x1xf32>, vector<512x1xf32> -> vector<512x1xf32>
      %broadcast_in_dim3A_154 = arith.constant 1.000000e+00 : f32
      %broadcast_in_dim3A_155 = vector.broadcast %broadcast_in_dim3A_154 : f32 to vector<1x1xf32>
      %dot_general3A_156 = arith.constant dense<0.000000e+00> : vector<512x1xf32>
      %dot_general3A_157 = tpu.matmul %get3A_123, %broadcast_in_dim3A_155, %dot_general3A_156 {dimension_numbers = #tpu.dot_dimension_numbers<[0], [0], [1], [1], [0, 1, 1, 1], [], []>, precision = #tpu.contract_precision<fp32>, transpose_lhs_hint = false} : vector<1x512xf32>, vector<1x1xf32>, vector<512x1xf32> -> vector<512x1xf32>
      %broadcast_in_dim3A_158 = arith.constant 1.000000e+00 : f32
      %broadcast_in_dim3A_159 = vector.broadcast %broadcast_in_dim3A_158 : f32 to vector<1x1xf32>
      %dot_general3A_160 = arith.constant dense<0.000000e+00> : vector<512x1xf32>
      %dot_general3A_161 = tpu.matmul %get3A_130, %broadcast_in_dim3A_159, %dot_general3A_160 {dimension_numbers = #tpu.dot_dimension_numbers<[0], [0], [1], [1], [0, 1, 1, 1], [], []>, precision = #tpu.contract_precision<fp32>, transpose_lhs_hint = false} : vector<1x512xf32>, vector<1x1xf32>, vector<512x1xf32> -> vector<512x1xf32>
      %broadcast_in_dim3A_162 = arith.constant 1.000000e+00 : f32
      %broadcast_in_dim3A_163 = vector.broadcast %broadcast_in_dim3A_162 : f32 to vector<1x1xf32>
      %dot_general3A_164 = arith.constant dense<0.000000e+00> : vector<512x1xf32>
      %dot_general3A_165 = tpu.matmul %mul3A_146, %broadcast_in_dim3A_163, %dot_general3A_164 {dimension_numbers = #tpu.dot_dimension_numbers<[0], [0], [1], [1], [0, 1, 1, 1], [], []>, precision = #tpu.contract_precision<fp32>, transpose_lhs_hint = false} : vector<1x512xf32>, vector<1x1xf32>, vector<512x1xf32> -> vector<512x1xf32>
      %max3A_166 = vector.broadcast %dot_general3A_149 : vector<512x1xf32> to vector<512x512xf32>
      %max3A_167 = vector.broadcast %get3A_109 : vector<1x512xf32> to vector<512x512xf32>
      %max3A_168 = arith.maximumf %max3A_166, %max3A_167 : vector<512x512xf32>
      %max3A_169 = vector.broadcast %dot_general3A_153 : vector<512x1xf32> to vector<512x512xf32>
      %max3A_170 = vector.broadcast %get3A_116 : vector<1x512xf32> to vector<512x512xf32>
      %max3A_171 = arith.maximumf %max3A_169, %max3A_170 : vector<512x512xf32>
      %min3A = vector.broadcast %dot_general3A_157 : vector<512x1xf32> to vector<512x512xf32>
      %min3A_172 = vector.broadcast %get3A_123 : vector<1x512xf32> to vector<512x512xf32>
      %min3A_173 = arith.minimumf %min3A, %min3A_172 : vector<512x512xf32>
      %min3A_174 = vector.broadcast %dot_general3A_161 : vector<512x1xf32> to vector<512x512xf32>
      %min3A_175 = vector.broadcast %get3A_130 : vector<1x512xf32> to vector<512x512xf32>
      %min3A_176 = arith.minimumf %min3A_174, %min3A_175 : vector<512x512xf32>
      %sub3A_177 = arith.subf %min3A_173, %max3A_168 : vector<512x512xf32>
      %max3A_178 = arith.constant 0.000000e+00 : f32
      %max3A_179 = vector.broadcast %max3A_178 : f32 to vector<512x512xf32>
      %max3A_180 = arith.maximumf %sub3A_177, %max3A_179 : vector<512x512xf32>
      %sub3A_181 = arith.subf %min3A_176, %max3A_171 : vector<512x512xf32>
      %max3A_182 = arith.constant 0.000000e+00 : f32
      %max3A_183 = vector.broadcast %max3A_182 : f32 to vector<512x512xf32>
      %max3A_184 = arith.maximumf %sub3A_181, %max3A_183 : vector<512x512xf32>
      %mul3A_185 = arith.mulf %max3A_180, %max3A_184 : vector<512x512xf32>
      %add3A_186 = vector.broadcast %dot_general3A_165 : vector<512x1xf32> to vector<512x512xf32>
      %add3A_187 = vector.broadcast %mul3A_146 : vector<1x512xf32> to vector<512x512xf32>
      %add3A_188 = arith.addf %add3A_186, %add3A_187 : vector<512x512xf32>
      %sub3A_189 = arith.subf %add3A_188, %mul3A_185 : vector<512x512xf32>
      %add3A_190 = arith.constant 9.99999971E-10 : f32
      %add3A_191 = vector.broadcast %add3A_190 : f32 to vector<512x512xf32>
      %add3A_192 = arith.addf %sub3A_189, %add3A_191 : vector<512x512xf32>
      %div3A_193 = arith.divf %mul3A_185, %add3A_192 : vector<512x512xf32>
      %gt3A_194 = arith.constant 4.500000e-01 : f32
      %gt3A_195 = vector.broadcast %gt3A_194 : f32 to vector<512x512xf32>
      %gt3A_196 = arith.cmpf ogt, %div3A_193, %gt3A_195 : vector<512x512xf32>
      %iota3A = tpu.iota {dimensions = array<i32: 0>} : vector<512x512xi32>
      %iota3A_197 = tpu.iota {dimensions = array<i32: 1>} : vector<512x512xi32>
      %lt3A = arith.cmpi slt, %iota3A, %iota3A_197 : vector<512x512xi32>
      %and3A_198 = arith.andi %gt3A_196, %lt3A : vector<512x512xi1>
      %jit3A_199 = arith.constant 1.000000e+00 : f32
      %jit3A_200 = arith.constant 0.000000e+00 : f32
      %broadcast_in_dim3A_201 = vector.broadcast %jit3A_199 : f32 to vector<512x512xf32>
      %broadcast_in_dim3A_202 = vector.broadcast %jit3A_200 : f32 to vector<512x512xf32>
      %select_n3A_203 = arith.select %and3A_198, %broadcast_in_dim3A_201, %broadcast_in_dim3A_202 : vector<512x512xi1>, vector<512x512xf32>
      %gt3A_204 = arith.constant 0.000000e+00 : f32
      %gt3A_205 = vector.broadcast %gt3A_204 : f32 to vector<1x512xf32>
      %gt3A_206 = arith.cmpf ogt, %get3A_137, %gt3A_205 : vector<1x512xf32>
      %get3A_207 = arith.index_cast %while3A_101 : i32 to index
      %get3A_208 = arith.constant 0 : index
      %get3A_209 = arith.constant 0 : index
      %get3A_210 = vector.load %arg4[%get3A_207, %get3A_208, %get3A_209] : memref<10x1x512xf32, #tpu.memory_space<vmem>>, vector<1x1x512xf32>
      %get3A_211 = vector.shape_cast %get3A_210 : vector<1x1x512xf32> to vector<1x512xf32>
      %lt3A_212 = arith.constant 5.000000e-01 : f32
      %lt3A_213 = vector.broadcast %lt3A_212 : f32 to vector<1x512xf32>
      %lt3A_214 = arith.cmpf olt, %get3A_211, %lt3A_213 : vector<1x512xf32>
      %and3A_215 = arith.andi %gt3A_206, %lt3A_214 : vector<1x512xi1>
      %jit3A_216 = arith.constant 1.000000e+00 : f32
      %jit3A_217 = arith.constant 0.000000e+00 : f32
      %broadcast_in_dim3A_218 = vector.broadcast %jit3A_216 : f32 to vector<1x512xf32>
      %broadcast_in_dim3A_219 = vector.broadcast %jit3A_217 : f32 to vector<1x512xf32>
      %select_n3A_220 = arith.select %and3A_215, %broadcast_in_dim3A_218, %broadcast_in_dim3A_219 : vector<1x512xi1>, vector<1x512xf32>
      %broadcast_in_dim3A_221 = arith.constant 1.000000e+00 : f32
      %broadcast_in_dim3A_222 = vector.broadcast %broadcast_in_dim3A_221 : f32 to vector<1x1xf32>
      %dot_general3A_223 = arith.constant dense<0.000000e+00> : vector<512x1xf32>
      %dot_general3A_224 = tpu.matmul %select_n3A_220, %broadcast_in_dim3A_222, %dot_general3A_223 {dimension_numbers = #tpu.dot_dimension_numbers<[0], [0], [1], [1], [0, 1, 1, 1], [], []>, precision = #tpu.contract_precision<fp32>, transpose_lhs_hint = false} : vector<1x512xf32>, vector<1x1xf32>, vector<512x1xf32> -> vector<512x1xf32>
      %mul3A_225 = vector.broadcast %dot_general3A_224 : vector<512x1xf32> to vector<512x512xf32>
      %mul3A_226 = arith.mulf %select_n3A_203, %mul3A_225 : vector<512x512xf32>
      %reduce_max3A = arith.constant dense<0xFF800000> : vector<512xf32>
      %reduce_max3A_227 = vector.multi_reduction <maximumf>, %mul3A_226, %reduce_max3A [0] : vector<512x512xf32> to vector<512xf32>
      %broadcast_in_dim3A_228 = vector.shape_cast %reduce_max3A_227 : vector<512xf32> to vector<1x512xf32>
      %gt3A_229 = arith.constant 5.000000e-01 : f32
      %gt3A_230 = vector.broadcast %gt3A_229 : f32 to vector<1x512xf32>
      %gt3A_231 = arith.cmpf ogt, %broadcast_in_dim3A_228, %gt3A_230 : vector<1x512xf32>
      %jit3A_232 = arith.constant 0.000000e+00 : f32
      %jit3A_233 = arith.constant 1.000000e+00 : f32
      %broadcast_in_dim3A_234 = vector.broadcast %jit3A_232 : f32 to vector<1x512xf32>
      %broadcast_in_dim3A_235 = vector.broadcast %jit3A_233 : f32 to vector<1x512xf32>
      %select_n3A_236 = arith.select %gt3A_231, %broadcast_in_dim3A_234, %broadcast_in_dim3A_235 : vector<1x512xi1>, vector<1x512xf32>
      %mul3A_237 = arith.mulf %select_n3A_220, %select_n3A_236 : vector<1x512xf32>
      %while3A_238:2 = scf.while (%while3A_290 = %select_n3A_220, %while3A_291 = %mul3A_237) : (vector<1x512xf32>, vector<1x512xf32>) -> (vector<1x512xf32>, vector<1x512xf32>) {
        %ne3A_292 = arith.cmpf one, %while3A_290, %while3A_291 : vector<1x512xf32>
        %reduce_or3A = arith.constant 1.000000e+00 : f32
        %reduce_or3A_293 = arith.constant 0.000000e+00 : f32
        %reduce_or3A_294 = vector.broadcast %reduce_or3A : f32 to vector<1x512xf32>
        %reduce_or3A_295 = vector.broadcast %reduce_or3A_293 : f32 to vector<1x512xf32>
        %reduce_or3A_296 = arith.select %ne3A_292, %reduce_or3A_294, %reduce_or3A_295 : vector<1x512xi1>, vector<1x512xf32>
        %reduce_or3A_297 = vector.shape_cast %reduce_or3A_296 : vector<1x512xf32> to vector<1x1x512xf32>
        %reduce_or3A_298 = arith.constant dense<0xFF800000> : vector<1xf32>
        %reduce_or3A_299 = vector.multi_reduction <maximumf>, %reduce_or3A_297, %reduce_or3A_298 [1, 2] : vector<1x1x512xf32> to vector<1xf32>
        %reduce_or3A_300 = vector.shape_cast %reduce_or3A_299 : vector<1xf32> to vector<1x1x1xf32>
        %reduce_or3A_301 = vector.extract %reduce_or3A_300[0, 0, 0] : f32 from vector<1x1x1xf32>
        %reduce_or3A_302 = arith.constant 0.000000e+00 : f32
        %reduce_or3A_303 = arith.cmpf ogt, %reduce_or3A_301, %reduce_or3A_302 : f32
        scf.condition(%reduce_or3A_303) %while3A_290, %while3A_291 : vector<1x512xf32>, vector<1x512xf32>
      } do {
      ^bb0(%while3A_290: vector<1x512xf32>, %while3A_291: vector<1x512xf32>):
        %broadcast_in_dim3A_292 = arith.constant 1.000000e+00 : f32
        %broadcast_in_dim3A_293 = vector.broadcast %broadcast_in_dim3A_292 : f32 to vector<1x1xf32>
        %dot_general3A_294 = arith.constant dense<0.000000e+00> : vector<512x1xf32>
        %dot_general3A_295 = tpu.matmul %while3A_291, %broadcast_in_dim3A_293, %dot_general3A_294 {dimension_numbers = #tpu.dot_dimension_numbers<[0], [0], [1], [1], [0, 1, 1, 1], [], []>, precision = #tpu.contract_precision<fp32>, transpose_lhs_hint = false} : vector<1x512xf32>, vector<1x1xf32>, vector<512x1xf32> -> vector<512x1xf32>
        %mul3A_296 = vector.broadcast %dot_general3A_295 : vector<512x1xf32> to vector<512x512xf32>
        %mul3A_297 = arith.mulf %select_n3A_203, %mul3A_296 : vector<512x512xf32>
        %reduce_max3A_298 = arith.constant dense<0xFF800000> : vector<512xf32>
        %reduce_max3A_299 = vector.multi_reduction <maximumf>, %mul3A_297, %reduce_max3A_298 [0] : vector<512x512xf32> to vector<512xf32>
        %broadcast_in_dim3A_300 = vector.shape_cast %reduce_max3A_299 : vector<512xf32> to vector<1x512xf32>
        %gt3A_301 = arith.constant 5.000000e-01 : f32
        %gt3A_302 = vector.broadcast %gt3A_301 : f32 to vector<1x512xf32>
        %gt3A_303 = arith.cmpf ogt, %broadcast_in_dim3A_300, %gt3A_302 : vector<1x512xf32>
        %jit3A_304 = arith.constant 0.000000e+00 : f32
        %jit3A_305 = arith.constant 1.000000e+00 : f32
        %broadcast_in_dim3A_306 = vector.broadcast %jit3A_304 : f32 to vector<1x512xf32>
        %broadcast_in_dim3A_307 = vector.broadcast %jit3A_305 : f32 to vector<1x512xf32>
        %select_n3A_308 = arith.select %gt3A_303, %broadcast_in_dim3A_306, %broadcast_in_dim3A_307 : vector<1x512xi1>, vector<1x512xf32>
        %mul3A_309 = arith.mulf %select_n3A_220, %select_n3A_308 : vector<1x512xf32>
        scf.yield %while3A_291, %mul3A_309 : vector<1x512xf32>, vector<1x512xf32>
      }
      %swap3A_239 = arith.constant 0 : index
      %swap3A_240 = arith.index_cast %while3A_101 : i32 to index
      %swap3A_241 = arith.constant 0 : index
      %swap3A_242 = arith.constant 0 : index
      %swap3A_243 = vector.load %arg3[%swap3A_239, %swap3A_240, %swap3A_241, %swap3A_242] : memref<1x10x1x512xf32, #tpu.memory_space<vmem>>, vector<1x1x1x512xf32>
      %swap3A_244 = vector.shape_cast %swap3A_243 : vector<1x1x1x512xf32> to vector<1x512xf32>
      %swap3A_245 = vector.shape_cast %while3A_238#1 : vector<1x512xf32> to vector<1x1x1x512xf32>
      tpu.vector_store %arg3[%swap3A_239, %swap3A_240, %swap3A_241, %swap3A_242], %swap3A_245 {strides = array<i32>} : memref<1x10x1x512xf32, #tpu.memory_space<vmem>>, vector<1x1x1x512xf32>,
      %broadcast_in_dim3A_246 = arith.constant 1.000000e+00 : f32
      %broadcast_in_dim3A_247 = vector.broadcast %broadcast_in_dim3A_246 : f32 to vector<1x1xf32>
      %dot_general3A_248 = arith.constant dense<0.000000e+00> : vector<512x1xf32>
      %dot_general3A_249 = tpu.matmul %while3A_238#1, %broadcast_in_dim3A_247, %dot_general3A_248 {dimension_numbers = #tpu.dot_dimension_numbers<[0], [0], [1], [1], [0, 1, 1, 1], [], []>, precision = #tpu.contract_precision<fp32>, transpose_lhs_hint = false} : vector<1x512xf32>, vector<1x1xf32>, vector<512x1xf32> -> vector<512x1xf32>
      %add3A_250 = arith.constant 1 : i32
      %add3A_251 = arith.addi %while3A_101, %add3A_250 : i32
      %mul3A_252 = arith.constant 512 : i32
      %mul3A_253 = arith.muli %add3A_251, %mul3A_252 : i32
      %jit3A_254 = arith.constant 512 : i32
      %div3A_255 = arith.divsi %mul3A_253, %jit3A_254 : i32
      %sign3A_256 = arith.constant 0 : i32
      %sign3A_257 = arith.cmpi sgt, %mul3A_253, %sign3A_256 : i32
      %sign3A_258 = arith.extui %sign3A_257 : i1 to i32
      %sign3A_259 = arith.constant 0 : i32
      %sign3A_260 = arith.cmpi slt, %mul3A_253, %sign3A_259 : i32
      %sign3A_261 = arith.extui %sign3A_260 : i1 to i32
      %sign3A_262 = arith.subi %sign3A_258, %sign3A_261 : i32
      %sign3A_263 = arith.constant 0 : i32
      %sign3A_264 = arith.cmpi sgt, %jit3A_254, %sign3A_263 : i32
      %sign3A_265 = arith.extui %sign3A_264 : i1 to i32
      %sign3A_266 = arith.constant 0 : i32
      %sign3A_267 = arith.cmpi slt, %jit3A_254, %sign3A_266 : i32
      %sign3A_268 = arith.extui %sign3A_267 : i1 to i32
      %sign3A_269 = arith.subi %sign3A_265, %sign3A_268 : i32
      %ne3A_270 = arith.cmpi ne, %sign3A_262, %sign3A_269 : i32
      %rem3A_271 = arith.remsi %mul3A_253, %jit3A_254 : i32
      %ne3A_272 = arith.constant 0 : i32
      %ne3A_273 = arith.cmpi ne, %rem3A_271, %ne3A_272 : i32
      %and3A_274 = arith.andi %ne3A_270, %ne3A_273 : i1
      %sub3A_275 = arith.constant 1 : i32
      %sub3A_276 = arith.subi %div3A_255, %sub3A_275 : i32
      %select_n3A_277 = arith.select %and3A_274, %sub3A_276, %div3A_255 : i32
      %while3A_278 = arith.constant 0 : i32
      %while3A_279 = arith.subi %select_n3A_89, %select_n3A_277 : i32
      %while3A_280 = arith.addi %select_n3A_277, %while3A_279 : i32
      %while3A_281 = arith.constant 1 : i32
      %while3A_282 = arith.divsi %while3A_279, %while3A_281 : i32
      %while3A_283 = arith.muli %while3A_282, %while3A_281 : i32
      %while3A_284 = arith.addi %select_n3A_277, %while3A_283 : i32
      %while3A_285 = arith.constant 1 : i32
      %while3A_286 = scf.for %while3A_290 = %select_n3A_277 to %while3A_284 step %while3A_285 iter_args(%while3A_291 = %while3A_278) -> (i32)  : i32 {
        %get3A_292 = arith.constant 0 : index
        %get3A_293 = arith.constant 0 : index
        %get3A_294 = arith.index_cast %while3A_290 : i32 to index
        %get3A_295 = arith.constant 0 : index
        %get3A_296 = arith.constant 0 : index
        %get3A_297 = vector.load %arg2[%get3A_292, %get3A_293, %get3A_294, %get3A_295, %get3A_296] : memref<1x5x10x1x512xf32, #tpu.memory_space<vmem>>, vector<1x1x1x1x512xf32>
        %get3A_298 = vector.shape_cast %get3A_297 : vector<1x1x1x1x512xf32> to vector<1x512xf32>
        %get3A_299 = arith.constant 0 : index
        %get3A_300 = arith.constant 1 : index
        %get3A_301 = arith.index_cast %while3A_290 : i32 to index
        %get3A_302 = arith.constant 0 : index
        %get3A_303 = arith.constant 0 : index
        %get3A_304 = vector.load %arg2[%get3A_299, %get3A_300, %get3A_301, %get3A_302, %get3A_303] : memref<1x5x10x1x512xf32, #tpu.memory_space<vmem>>, vector<1x1x1x1x512xf32>
        %get3A_305 = vector.shape_cast %get3A_304 : vector<1x1x1x1x512xf32> to vector<1x512xf32>
        %get3A_306 = arith.constant 0 : index
        %get3A_307 = arith.constant 2 : index
        %get3A_308 = arith.index_cast %while3A_290 : i32 to index
        %get3A_309 = arith.constant 0 : index
        %get3A_310 = arith.constant 0 : index
        %get3A_311 = vector.load %arg2[%get3A_306, %get3A_307, %get3A_308, %get3A_309, %get3A_310] : memref<1x5x10x1x512xf32, #tpu.memory_space<vmem>>, vector<1x1x1x1x512xf32>
        %get3A_312 = vector.shape_cast %get3A_311 : vector<1x1x1x1x512xf32> to vector<1x512xf32>
        %get3A_313 = arith.constant 0 : index
        %get3A_314 = arith.constant 3 : index
        %get3A_315 = arith.index_cast %while3A_290 : i32 to index
        %get3A_316 = arith.constant 0 : index
        %get3A_317 = arith.constant 0 : index
        %get3A_318 = vector.load %arg2[%get3A_313, %get3A_314, %get3A_315, %get3A_316, %get3A_317] : memref<1x5x10x1x512xf32, #tpu.memory_space<vmem>>, vector<1x1x1x1x512xf32>
        %get3A_319 = vector.shape_cast %get3A_318 : vector<1x1x1x1x512xf32> to vector<1x512xf32>
        %get3A_320 = arith.index_cast %while3A_290 : i32 to index
        %get3A_321 = arith.constant 0 : index
        %get3A_322 = arith.constant 0 : index
        %get3A_323 = vector.load %arg5[%get3A_320, %get3A_321, %get3A_322] : memref<10x1x512xf32, #tpu.memory_space<vmem>>, vector<1x1x512xf32>
        %get3A_324 = vector.shape_cast %get3A_323 : vector<1x1x512xf32> to vector<1x512xf32>
        %max3A_325 = vector.broadcast %dot_general3A_149 : vector<512x1xf32> to vector<512x512xf32>
        %max3A_326 = vector.broadcast %get3A_298 : vector<1x512xf32> to vector<512x512xf32>
        %max3A_327 = arith.maximumf %max3A_325, %max3A_326 : vector<512x512xf32>
        %max3A_328 = vector.broadcast %dot_general3A_153 : vector<512x1xf32> to vector<512x512xf32>
        %max3A_329 = vector.broadcast %get3A_305 : vector<1x512xf32> to vector<512x512xf32>
        %max3A_330 = arith.maximumf %max3A_328, %max3A_329 : vector<512x512xf32>
        %min3A_331 = vector.broadcast %dot_general3A_157 : vector<512x1xf32> to vector<512x512xf32>
        %min3A_332 = vector.broadcast %get3A_312 : vector<1x512xf32> to vector<512x512xf32>
        %min3A_333 = arith.minimumf %min3A_331, %min3A_332 : vector<512x512xf32>
        %min3A_334 = vector.broadcast %dot_general3A_161 : vector<512x1xf32> to vector<512x512xf32>
        %min3A_335 = vector.broadcast %get3A_319 : vector<1x512xf32> to vector<512x512xf32>
        %min3A_336 = arith.minimumf %min3A_334, %min3A_335 : vector<512x512xf32>
        %sub3A_337 = arith.subf %min3A_333, %max3A_327 : vector<512x512xf32>
        %max3A_338 = arith.constant 0.000000e+00 : f32
        %max3A_339 = vector.broadcast %max3A_338 : f32 to vector<512x512xf32>
        %max3A_340 = arith.maximumf %sub3A_337, %max3A_339 : vector<512x512xf32>
        %sub3A_341 = arith.subf %min3A_336, %max3A_330 : vector<512x512xf32>
        %max3A_342 = arith.constant 0.000000e+00 : f32
        %max3A_343 = vector.broadcast %max3A_342 : f32 to vector<512x512xf32>
        %max3A_344 = arith.maximumf %sub3A_341, %max3A_343 : vector<512x512xf32>
        %mul3A_345 = arith.mulf %max3A_340, %max3A_344 : vector<512x512xf32>
        %add3A_346 = vector.broadcast %dot_general3A_165 : vector<512x1xf32> to vector<512x512xf32>
        %add3A_347 = vector.broadcast %get3A_324 : vector<1x512xf32> to vector<512x512xf32>
        %add3A_348 = arith.addf %add3A_346, %add3A_347 : vector<512x512xf32>
        %sub3A_349 = arith.subf %add3A_348, %mul3A_345 : vector<512x512xf32>
        %add3A_350 = arith.constant 9.99999971E-10 : f32
        %add3A_351 = vector.broadcast %add3A_350 : f32 to vector<512x512xf32>
        %add3A_352 = arith.addf %sub3A_349, %add3A_351 : vector<512x512xf32>
        %div3A_353 = arith.divf %mul3A_345, %add3A_352 : vector<512x512xf32>
        %gt3A_354 = arith.constant 4.500000e-01 : f32
        %gt3A_355 = vector.broadcast %gt3A_354 : f32 to vector<512x512xf32>
        %gt3A_356 = arith.cmpf ogt, %div3A_353, %gt3A_355 : vector<512x512xf32>
        %jit3A_357 = arith.constant 1.000000e+00 : f32
        %jit3A_358 = arith.constant 0.000000e+00 : f32
        %broadcast_in_dim3A_359 = vector.broadcast %jit3A_357 : f32 to vector<512x512xf32>
        %broadcast_in_dim3A_360 = vector.broadcast %jit3A_358 : f32 to vector<512x512xf32>
        %select_n3A_361 = arith.select %gt3A_356, %broadcast_in_dim3A_359, %broadcast_in_dim3A_360 : vector<512x512xi1>, vector<512x512xf32>
        %mul3A_362 = vector.broadcast %dot_general3A_249 : vector<512x1xf32> to vector<512x512xf32>
        %mul3A_363 = arith.mulf %select_n3A_361, %mul3A_362 : vector<512x512xf32>
        %reduce_max3A_364 = arith.constant dense<0xFF800000> : vector<512xf32>
        %reduce_max3A_365 = vector.multi_reduction <maximumf>, %mul3A_363, %reduce_max3A_364 [0] : vector<512x512xf32> to vector<512xf32>
        %broadcast_in_dim3A_366 = vector.shape_cast %reduce_max3A_365 : vector<512xf32> to vector<1x512xf32>
        %mul3A_367 = arith.constant 1 : i32
        %mul3A_368 = arith.muli %while3A_290, %mul3A_367 : i32
        %add3A_369 = arith.constant 0 : i32
        %add3A_370 = arith.addi %mul3A_368, %add3A_369 : i32
        %get3A_371 = arith.index_cast %add3A_370 : i32 to index
        %get3A_372 = arith.constant 0 : index
        %get3A_373 = arith.constant 0 : index
        %get3A_374 = vector.load %arg4[%get3A_371, %get3A_372, %get3A_373] : memref<10x1x512xf32, #tpu.memory_space<vmem>>, vector<1x1x512xf32>
        %get3A_375 = vector.shape_cast %get3A_374 : vector<1x1x512xf32> to vector<1x512xf32>
        %max3A_376 = arith.maximumf %get3A_375, %broadcast_in_dim3A_366 : vector<1x512xf32>
        %swap3A_377 = arith.index_cast %add3A_370 : i32 to index
        %swap3A_378 = arith.constant 0 : index
        %swap3A_379 = arith.constant 0 : index
        %swap3A_380 = vector.load %arg4[%swap3A_377, %swap3A_378, %swap3A_379] : memref<10x1x512xf32, #tpu.memory_space<vmem>>, vector<1x1x512xf32>
        %swap3A_381 = vector.shape_cast %swap3A_380 : vector<1x1x512xf32> to vector<1x512xf32>
        %swap3A_382 = vector.shape_cast %max3A_376 : vector<1x512xf32> to vector<1x1x512xf32>
        tpu.vector_store %arg4[%swap3A_377, %swap3A_378, %swap3A_379], %swap3A_382 {strides = array<i32>} : memref<10x1x512xf32, #tpu.memory_space<vmem>>, vector<1x1x512xf32>,
        %while3A_383 = arith.constant 0 : i32
        scf.yield %while3A_383 : i32
      }
      %while3A_287 = arith.constant 1 : i32
      %while3A_288 = scf.for %while3A_290 = %while3A_284 to %while3A_280 step %while3A_287 iter_args(%while3A_291 = %while3A_286) -> (i32)  : i32 {
        %get3A_292 = arith.constant 0 : index
        %get3A_293 = arith.constant 0 : index
        %get3A_294 = arith.index_cast %while3A_290 : i32 to index
        %get3A_295 = arith.constant 0 : index
        %get3A_296 = arith.constant 0 : index
        %get3A_297 = vector.load %arg2[%get3A_292, %get3A_293, %get3A_294, %get3A_295, %get3A_296] : memref<1x5x10x1x512xf32, #tpu.memory_space<vmem>>, vector<1x1x1x1x512xf32>
        %get3A_298 = vector.shape_cast %get3A_297 : vector<1x1x1x1x512xf32> to vector<1x512xf32>
        %get3A_299 = arith.constant 0 : index
        %get3A_300 = arith.constant 1 : index
        %get3A_301 = arith.index_cast %while3A_290 : i32 to index
        %get3A_302 = arith.constant 0 : index
        %get3A_303 = arith.constant 0 : index
        %get3A_304 = vector.load %arg2[%get3A_299, %get3A_300, %get3A_301, %get3A_302, %get3A_303] : memref<1x5x10x1x512xf32, #tpu.memory_space<vmem>>, vector<1x1x1x1x512xf32>
        %get3A_305 = vector.shape_cast %get3A_304 : vector<1x1x1x1x512xf32> to vector<1x512xf32>
        %get3A_306 = arith.constant 0 : index
        %get3A_307 = arith.constant 2 : index
        %get3A_308 = arith.index_cast %while3A_290 : i32 to index
        %get3A_309 = arith.constant 0 : index
        %get3A_310 = arith.constant 0 : index
        %get3A_311 = vector.load %arg2[%get3A_306, %get3A_307, %get3A_308, %get3A_309, %get3A_310] : memref<1x5x10x1x512xf32, #tpu.memory_space<vmem>>, vector<1x1x1x1x512xf32>
        %get3A_312 = vector.shape_cast %get3A_311 : vector<1x1x1x1x512xf32> to vector<1x512xf32>
        %get3A_313 = arith.constant 0 : index
        %get3A_314 = arith.constant 3 : index
        %get3A_315 = arith.index_cast %while3A_290 : i32 to index
        %get3A_316 = arith.constant 0 : index
        %get3A_317 = arith.constant 0 : index
        %get3A_318 = vector.load %arg2[%get3A_313, %get3A_314, %get3A_315, %get3A_316, %get3A_317] : memref<1x5x10x1x512xf32, #tpu.memory_space<vmem>>, vector<1x1x1x1x512xf32>
        %get3A_319 = vector.shape_cast %get3A_318 : vector<1x1x1x1x512xf32> to vector<1x512xf32>
        %get3A_320 = arith.index_cast %while3A_290 : i32 to index
        %get3A_321 = arith.constant 0 : index
        %get3A_322 = arith.constant 0 : index
        %get3A_323 = vector.load %arg5[%get3A_320, %get3A_321, %get3A_322] : memref<10x1x512xf32, #tpu.memory_space<vmem>>, vector<1x1x512xf32>
        %get3A_324 = vector.shape_cast %get3A_323 : vector<1x1x512xf32> to vector<1x512xf32>
        %max3A_325 = vector.broadcast %dot_general3A_149 : vector<512x1xf32> to vector<512x512xf32>
        %max3A_326 = vector.broadcast %get3A_298 : vector<1x512xf32> to vector<512x512xf32>
        %max3A_327 = arith.maximumf %max3A_325, %max3A_326 : vector<512x512xf32>
        %max3A_328 = vector.broadcast %dot_general3A_153 : vector<512x1xf32> to vector<512x512xf32>
        %max3A_329 = vector.broadcast %get3A_305 : vector<1x512xf32> to vector<512x512xf32>
        %max3A_330 = arith.maximumf %max3A_328, %max3A_329 : vector<512x512xf32>
        %min3A_331 = vector.broadcast %dot_general3A_157 : vector<512x1xf32> to vector<512x512xf32>
        %min3A_332 = vector.broadcast %get3A_312 : vector<1x512xf32> to vector<512x512xf32>
        %min3A_333 = arith.minimumf %min3A_331, %min3A_332 : vector<512x512xf32>
        %min3A_334 = vector.broadcast %dot_general3A_161 : vector<512x1xf32> to vector<512x512xf32>
        %min3A_335 = vector.broadcast %get3A_319 : vector<1x512xf32> to vector<512x512xf32>
        %min3A_336 = arith.minimumf %min3A_334, %min3A_335 : vector<512x512xf32>
        %sub3A_337 = arith.subf %min3A_333, %max3A_327 : vector<512x512xf32>
        %max3A_338 = arith.constant 0.000000e+00 : f32
        %max3A_339 = vector.broadcast %max3A_338 : f32 to vector<512x512xf32>
        %max3A_340 = arith.maximumf %sub3A_337, %max3A_339 : vector<512x512xf32>
        %sub3A_341 = arith.subf %min3A_336, %max3A_330 : vector<512x512xf32>
        %max3A_342 = arith.constant 0.000000e+00 : f32
        %max3A_343 = vector.broadcast %max3A_342 : f32 to vector<512x512xf32>
        %max3A_344 = arith.maximumf %sub3A_341, %max3A_343 : vector<512x512xf32>
        %mul3A_345 = arith.mulf %max3A_340, %max3A_344 : vector<512x512xf32>
        %add3A_346 = vector.broadcast %dot_general3A_165 : vector<512x1xf32> to vector<512x512xf32>
        %add3A_347 = vector.broadcast %get3A_324 : vector<1x512xf32> to vector<512x512xf32>
        %add3A_348 = arith.addf %add3A_346, %add3A_347 : vector<512x512xf32>
        %sub3A_349 = arith.subf %add3A_348, %mul3A_345 : vector<512x512xf32>
        %add3A_350 = arith.constant 9.99999971E-10 : f32
        %add3A_351 = vector.broadcast %add3A_350 : f32 to vector<512x512xf32>
        %add3A_352 = arith.addf %sub3A_349, %add3A_351 : vector<512x512xf32>
        %div3A_353 = arith.divf %mul3A_345, %add3A_352 : vector<512x512xf32>
        %gt3A_354 = arith.constant 4.500000e-01 : f32
        %gt3A_355 = vector.broadcast %gt3A_354 : f32 to vector<512x512xf32>
        %gt3A_356 = arith.cmpf ogt, %div3A_353, %gt3A_355 : vector<512x512xf32>
        %jit3A_357 = arith.constant 1.000000e+00 : f32
        %jit3A_358 = arith.constant 0.000000e+00 : f32
        %broadcast_in_dim3A_359 = vector.broadcast %jit3A_357 : f32 to vector<512x512xf32>
        %broadcast_in_dim3A_360 = vector.broadcast %jit3A_358 : f32 to vector<512x512xf32>
        %select_n3A_361 = arith.select %gt3A_356, %broadcast_in_dim3A_359, %broadcast_in_dim3A_360 : vector<512x512xi1>, vector<512x512xf32>
        %mul3A_362 = vector.broadcast %dot_general3A_249 : vector<512x1xf32> to vector<512x512xf32>
        %mul3A_363 = arith.mulf %select_n3A_361, %mul3A_362 : vector<512x512xf32>
        %reduce_max3A_364 = arith.constant dense<0xFF800000> : vector<512xf32>
        %reduce_max3A_365 = vector.multi_reduction <maximumf>, %mul3A_363, %reduce_max3A_364 [0] : vector<512x512xf32> to vector<512xf32>
        %broadcast_in_dim3A_366 = vector.shape_cast %reduce_max3A_365 : vector<512xf32> to vector<1x512xf32>
        %mul3A_367 = arith.constant 1 : i32
        %mul3A_368 = arith.muli %while3A_290, %mul3A_367 : i32
        %add3A_369 = arith.constant 0 : i32
        %add3A_370 = arith.addi %mul3A_368, %add3A_369 : i32
        %get3A_371 = arith.index_cast %add3A_370 : i32 to index
        %get3A_372 = arith.constant 0 : index
        %get3A_373 = arith.constant 0 : index
        %get3A_374 = vector.load %arg4[%get3A_371, %get3A_372, %get3A_373] : memref<10x1x512xf32, #tpu.memory_space<vmem>>, vector<1x1x512xf32>
        %get3A_375 = vector.shape_cast %get3A_374 : vector<1x1x512xf32> to vector<1x512xf32>
        %max3A_376 = arith.maximumf %get3A_375, %broadcast_in_dim3A_366 : vector<1x512xf32>
        %swap3A_377 = arith.index_cast %add3A_370 : i32 to index
        %swap3A_378 = arith.constant 0 : index
        %swap3A_379 = arith.constant 0 : index
        %swap3A_380 = vector.load %arg4[%swap3A_377, %swap3A_378, %swap3A_379] : memref<10x1x512xf32, #tpu.memory_space<vmem>>, vector<1x1x512xf32>
        %swap3A_381 = vector.shape_cast %swap3A_380 : vector<1x1x512xf32> to vector<1x512xf32>
        %swap3A_382 = vector.shape_cast %max3A_376 : vector<1x512xf32> to vector<1x1x512xf32>
        tpu.vector_store %arg4[%swap3A_377, %swap3A_378, %swap3A_379], %swap3A_382 {strides = array<i32>} : memref<10x1x512xf32, #tpu.memory_space<vmem>>, vector<1x1x512xf32>,
        %while3A_383 = arith.constant 0 : i32
        scf.yield %while3A_383 : i32
      }
      %while3A_289 = arith.constant 0 : i32
      scf.yield %while3A_289 : i32
    }
    %while3A_99 = arith.constant 1 : i32
    %while3A_100 = scf.for %while3A_101 = %while3A_96 to %while3A_92 step %while3A_99 iter_args(%while3A_102 = %while3A_98) -> (i32)  : i32 {
      %get3A_103 = arith.constant 0 : index
      %get3A_104 = arith.constant 0 : index
      %get3A_105 = arith.index_cast %while3A_101 : i32 to index
      %get3A_106 = arith.constant 0 : index
      %get3A_107 = arith.constant 0 : index
      %get3A_108 = vector.load %arg1[%get3A_103, %get3A_104, %get3A_105, %get3A_106, %get3A_107] : memref<1x5x10x1x512xf32, #tpu.memory_space<vmem>>, vector<1x1x1x1x512xf32>
      %get3A_109 = vector.shape_cast %get3A_108 : vector<1x1x1x1x512xf32> to vector<1x512xf32>
      %get3A_110 = arith.constant 0 : index
      %get3A_111 = arith.constant 1 : index
      %get3A_112 = arith.index_cast %while3A_101 : i32 to index
      %get3A_113 = arith.constant 0 : index
      %get3A_114 = arith.constant 0 : index
      %get3A_115 = vector.load %arg1[%get3A_110, %get3A_111, %get3A_112, %get3A_113, %get3A_114] : memref<1x5x10x1x512xf32, #tpu.memory_space<vmem>>, vector<1x1x1x1x512xf32>
      %get3A_116 = vector.shape_cast %get3A_115 : vector<1x1x1x1x512xf32> to vector<1x512xf32>
      %get3A_117 = arith.constant 0 : index
      %get3A_118 = arith.constant 2 : index
      %get3A_119 = arith.index_cast %while3A_101 : i32 to index
      %get3A_120 = arith.constant 0 : index
      %get3A_121 = arith.constant 0 : index
      %get3A_122 = vector.load %arg1[%get3A_117, %get3A_118, %get3A_119, %get3A_120, %get3A_121] : memref<1x5x10x1x512xf32, #tpu.memory_space<vmem>>, vector<1x1x1x1x512xf32>
      %get3A_123 = vector.shape_cast %get3A_122 : vector<1x1x1x1x512xf32> to vector<1x512xf32>
      %get3A_124 = arith.constant 0 : index
      %get3A_125 = arith.constant 3 : index
      %get3A_126 = arith.index_cast %while3A_101 : i32 to index
      %get3A_127 = arith.constant 0 : index
      %get3A_128 = arith.constant 0 : index
      %get3A_129 = vector.load %arg1[%get3A_124, %get3A_125, %get3A_126, %get3A_127, %get3A_128] : memref<1x5x10x1x512xf32, #tpu.memory_space<vmem>>, vector<1x1x1x1x512xf32>
      %get3A_130 = vector.shape_cast %get3A_129 : vector<1x1x1x1x512xf32> to vector<1x512xf32>
      %get3A_131 = arith.constant 0 : index
      %get3A_132 = arith.constant 4 : index
      %get3A_133 = arith.index_cast %while3A_101 : i32 to index
      %get3A_134 = arith.constant 0 : index
      %get3A_135 = arith.constant 0 : index
      %get3A_136 = vector.load %arg1[%get3A_131, %get3A_132, %get3A_133, %get3A_134, %get3A_135] : memref<1x5x10x1x512xf32, #tpu.memory_space<vmem>>, vector<1x1x1x1x512xf32>
      %get3A_137 = vector.shape_cast %get3A_136 : vector<1x1x1x1x512xf32> to vector<1x512xf32>
      %sub3A_138 = arith.subf %get3A_123, %get3A_109 : vector<1x512xf32>
      %max3A_139 = arith.constant 0.000000e+00 : f32
      %max3A_140 = vector.broadcast %max3A_139 : f32 to vector<1x512xf32>
      %max3A_141 = arith.maximumf %sub3A_138, %max3A_140 : vector<1x512xf32>
      %sub3A_142 = arith.subf %get3A_130, %get3A_116 : vector<1x512xf32>
      %max3A_143 = arith.constant 0.000000e+00 : f32
      %max3A_144 = vector.broadcast %max3A_143 : f32 to vector<1x512xf32>
      %max3A_145 = arith.maximumf %sub3A_142, %max3A_144 : vector<1x512xf32>
      %mul3A_146 = arith.mulf %max3A_141, %max3A_145 : vector<1x512xf32>
      %broadcast_in_dim3A_147 = arith.constant 1.000000e+00 : f32
      %broadcast_in_dim3A_148 = vector.broadcast %broadcast_in_dim3A_147 : f32 to vector<1x1xf32>
      %dot_general3A = arith.constant dense<0.000000e+00> : vector<512x1xf32>
      %dot_general3A_149 = tpu.matmul %get3A_109, %broadcast_in_dim3A_148, %dot_general3A {dimension_numbers = #tpu.dot_dimension_numbers<[0], [0], [1], [1], [0, 1, 1, 1], [], []>, precision = #tpu.contract_precision<fp32>, transpose_lhs_hint = false} : vector<1x512xf32>, vector<1x1xf32>, vector<512x1xf32> -> vector<512x1xf32>
      %broadcast_in_dim3A_150 = arith.constant 1.000000e+00 : f32
      %broadcast_in_dim3A_151 = vector.broadcast %broadcast_in_dim3A_150 : f32 to vector<1x1xf32>
      %dot_general3A_152 = arith.constant dense<0.000000e+00> : vector<512x1xf32>
      %dot_general3A_153 = tpu.matmul %get3A_116, %broadcast_in_dim3A_151, %dot_general3A_152 {dimension_numbers = #tpu.dot_dimension_numbers<[0], [0], [1], [1], [0, 1, 1, 1], [], []>, precision = #tpu.contract_precision<fp32>, transpose_lhs_hint = false} : vector<1x512xf32>, vector<1x1xf32>, vector<512x1xf32> -> vector<512x1xf32>
      %broadcast_in_dim3A_154 = arith.constant 1.000000e+00 : f32
      %broadcast_in_dim3A_155 = vector.broadcast %broadcast_in_dim3A_154 : f32 to vector<1x1xf32>
      %dot_general3A_156 = arith.constant dense<0.000000e+00> : vector<512x1xf32>
      %dot_general3A_157 = tpu.matmul %get3A_123, %broadcast_in_dim3A_155, %dot_general3A_156 {dimension_numbers = #tpu.dot_dimension_numbers<[0], [0], [1], [1], [0, 1, 1, 1], [], []>, precision = #tpu.contract_precision<fp32>, transpose_lhs_hint = false} : vector<1x512xf32>, vector<1x1xf32>, vector<512x1xf32> -> vector<512x1xf32>
      %broadcast_in_dim3A_158 = arith.constant 1.000000e+00 : f32
      %broadcast_in_dim3A_159 = vector.broadcast %broadcast_in_dim3A_158 : f32 to vector<1x1xf32>
      %dot_general3A_160 = arith.constant dense<0.000000e+00> : vector<512x1xf32>
      %dot_general3A_161 = tpu.matmul %get3A_130, %broadcast_in_dim3A_159, %dot_general3A_160 {dimension_numbers = #tpu.dot_dimension_numbers<[0], [0], [1], [1], [0, 1, 1, 1], [], []>, precision = #tpu.contract_precision<fp32>, transpose_lhs_hint = false} : vector<1x512xf32>, vector<1x1xf32>, vector<512x1xf32> -> vector<512x1xf32>
      %broadcast_in_dim3A_162 = arith.constant 1.000000e+00 : f32
      %broadcast_in_dim3A_163 = vector.broadcast %broadcast_in_dim3A_162 : f32 to vector<1x1xf32>
      %dot_general3A_164 = arith.constant dense<0.000000e+00> : vector<512x1xf32>
      %dot_general3A_165 = tpu.matmul %mul3A_146, %broadcast_in_dim3A_163, %dot_general3A_164 {dimension_numbers = #tpu.dot_dimension_numbers<[0], [0], [1], [1], [0, 1, 1, 1], [], []>, precision = #tpu.contract_precision<fp32>, transpose_lhs_hint = false} : vector<1x512xf32>, vector<1x1xf32>, vector<512x1xf32> -> vector<512x1xf32>
      %max3A_166 = vector.broadcast %dot_general3A_149 : vector<512x1xf32> to vector<512x512xf32>
      %max3A_167 = vector.broadcast %get3A_109 : vector<1x512xf32> to vector<512x512xf32>
      %max3A_168 = arith.maximumf %max3A_166, %max3A_167 : vector<512x512xf32>
      %max3A_169 = vector.broadcast %dot_general3A_153 : vector<512x1xf32> to vector<512x512xf32>
      %max3A_170 = vector.broadcast %get3A_116 : vector<1x512xf32> to vector<512x512xf32>
      %max3A_171 = arith.maximumf %max3A_169, %max3A_170 : vector<512x512xf32>
      %min3A = vector.broadcast %dot_general3A_157 : vector<512x1xf32> to vector<512x512xf32>
      %min3A_172 = vector.broadcast %get3A_123 : vector<1x512xf32> to vector<512x512xf32>
      %min3A_173 = arith.minimumf %min3A, %min3A_172 : vector<512x512xf32>
      %min3A_174 = vector.broadcast %dot_general3A_161 : vector<512x1xf32> to vector<512x512xf32>
      %min3A_175 = vector.broadcast %get3A_130 : vector<1x512xf32> to vector<512x512xf32>
      %min3A_176 = arith.minimumf %min3A_174, %min3A_175 : vector<512x512xf32>
      %sub3A_177 = arith.subf %min3A_173, %max3A_168 : vector<512x512xf32>
      %max3A_178 = arith.constant 0.000000e+00 : f32
      %max3A_179 = vector.broadcast %max3A_178 : f32 to vector<512x512xf32>
      %max3A_180 = arith.maximumf %sub3A_177, %max3A_179 : vector<512x512xf32>
      %sub3A_181 = arith.subf %min3A_176, %max3A_171 : vector<512x512xf32>
      %max3A_182 = arith.constant 0.000000e+00 : f32
      %max3A_183 = vector.broadcast %max3A_182 : f32 to vector<512x512xf32>
      %max3A_184 = arith.maximumf %sub3A_181, %max3A_183 : vector<512x512xf32>
      %mul3A_185 = arith.mulf %max3A_180, %max3A_184 : vector<512x512xf32>
      %add3A_186 = vector.broadcast %dot_general3A_165 : vector<512x1xf32> to vector<512x512xf32>
      %add3A_187 = vector.broadcast %mul3A_146 : vector<1x512xf32> to vector<512x512xf32>
      %add3A_188 = arith.addf %add3A_186, %add3A_187 : vector<512x512xf32>
      %sub3A_189 = arith.subf %add3A_188, %mul3A_185 : vector<512x512xf32>
      %add3A_190 = arith.constant 9.99999971E-10 : f32
      %add3A_191 = vector.broadcast %add3A_190 : f32 to vector<512x512xf32>
      %add3A_192 = arith.addf %sub3A_189, %add3A_191 : vector<512x512xf32>
      %div3A_193 = arith.divf %mul3A_185, %add3A_192 : vector<512x512xf32>
      %gt3A_194 = arith.constant 4.500000e-01 : f32
      %gt3A_195 = vector.broadcast %gt3A_194 : f32 to vector<512x512xf32>
      %gt3A_196 = arith.cmpf ogt, %div3A_193, %gt3A_195 : vector<512x512xf32>
      %iota3A = tpu.iota {dimensions = array<i32: 0>} : vector<512x512xi32>
      %iota3A_197 = tpu.iota {dimensions = array<i32: 1>} : vector<512x512xi32>
      %lt3A = arith.cmpi slt, %iota3A, %iota3A_197 : vector<512x512xi32>
      %and3A_198 = arith.andi %gt3A_196, %lt3A : vector<512x512xi1>
      %jit3A_199 = arith.constant 1.000000e+00 : f32
      %jit3A_200 = arith.constant 0.000000e+00 : f32
      %broadcast_in_dim3A_201 = vector.broadcast %jit3A_199 : f32 to vector<512x512xf32>
      %broadcast_in_dim3A_202 = vector.broadcast %jit3A_200 : f32 to vector<512x512xf32>
      %select_n3A_203 = arith.select %and3A_198, %broadcast_in_dim3A_201, %broadcast_in_dim3A_202 : vector<512x512xi1>, vector<512x512xf32>
      %gt3A_204 = arith.constant 0.000000e+00 : f32
      %gt3A_205 = vector.broadcast %gt3A_204 : f32 to vector<1x512xf32>
      %gt3A_206 = arith.cmpf ogt, %get3A_137, %gt3A_205 : vector<1x512xf32>
      %get3A_207 = arith.index_cast %while3A_101 : i32 to index
      %get3A_208 = arith.constant 0 : index
      %get3A_209 = arith.constant 0 : index
      %get3A_210 = vector.load %arg4[%get3A_207, %get3A_208, %get3A_209] : memref<10x1x512xf32, #tpu.memory_space<vmem>>, vector<1x1x512xf32>
      %get3A_211 = vector.shape_cast %get3A_210 : vector<1x1x512xf32> to vector<1x512xf32>
      %lt3A_212 = arith.constant 5.000000e-01 : f32
      %lt3A_213 = vector.broadcast %lt3A_212 : f32 to vector<1x512xf32>
      %lt3A_214 = arith.cmpf olt, %get3A_211, %lt3A_213 : vector<1x512xf32>
      %and3A_215 = arith.andi %gt3A_206, %lt3A_214 : vector<1x512xi1>
      %jit3A_216 = arith.constant 1.000000e+00 : f32
      %jit3A_217 = arith.constant 0.000000e+00 : f32
      %broadcast_in_dim3A_218 = vector.broadcast %jit3A_216 : f32 to vector<1x512xf32>
      %broadcast_in_dim3A_219 = vector.broadcast %jit3A_217 : f32 to vector<1x512xf32>
      %select_n3A_220 = arith.select %and3A_215, %broadcast_in_dim3A_218, %broadcast_in_dim3A_219 : vector<1x512xi1>, vector<1x512xf32>
      %broadcast_in_dim3A_221 = arith.constant 1.000000e+00 : f32
      %broadcast_in_dim3A_222 = vector.broadcast %broadcast_in_dim3A_221 : f32 to vector<1x1xf32>
      %dot_general3A_223 = arith.constant dense<0.000000e+00> : vector<512x1xf32>
      %dot_general3A_224 = tpu.matmul %select_n3A_220, %broadcast_in_dim3A_222, %dot_general3A_223 {dimension_numbers = #tpu.dot_dimension_numbers<[0], [0], [1], [1], [0, 1, 1, 1], [], []>, precision = #tpu.contract_precision<fp32>, transpose_lhs_hint = false} : vector<1x512xf32>, vector<1x1xf32>, vector<512x1xf32> -> vector<512x1xf32>
      %mul3A_225 = vector.broadcast %dot_general3A_224 : vector<512x1xf32> to vector<512x512xf32>
      %mul3A_226 = arith.mulf %select_n3A_203, %mul3A_225 : vector<512x512xf32>
      %reduce_max3A = arith.constant dense<0xFF800000> : vector<512xf32>
      %reduce_max3A_227 = vector.multi_reduction <maximumf>, %mul3A_226, %reduce_max3A [0] : vector<512x512xf32> to vector<512xf32>
      %broadcast_in_dim3A_228 = vector.shape_cast %reduce_max3A_227 : vector<512xf32> to vector<1x512xf32>
      %gt3A_229 = arith.constant 5.000000e-01 : f32
      %gt3A_230 = vector.broadcast %gt3A_229 : f32 to vector<1x512xf32>
      %gt3A_231 = arith.cmpf ogt, %broadcast_in_dim3A_228, %gt3A_230 : vector<1x512xf32>
      %jit3A_232 = arith.constant 0.000000e+00 : f32
      %jit3A_233 = arith.constant 1.000000e+00 : f32
      %broadcast_in_dim3A_234 = vector.broadcast %jit3A_232 : f32 to vector<1x512xf32>
      %broadcast_in_dim3A_235 = vector.broadcast %jit3A_233 : f32 to vector<1x512xf32>
      %select_n3A_236 = arith.select %gt3A_231, %broadcast_in_dim3A_234, %broadcast_in_dim3A_235 : vector<1x512xi1>, vector<1x512xf32>
      %mul3A_237 = arith.mulf %select_n3A_220, %select_n3A_236 : vector<1x512xf32>
      %while3A_238:2 = scf.while (%while3A_290 = %select_n3A_220, %while3A_291 = %mul3A_237) : (vector<1x512xf32>, vector<1x512xf32>) -> (vector<1x512xf32>, vector<1x512xf32>) {
        %ne3A_292 = arith.cmpf one, %while3A_290, %while3A_291 : vector<1x512xf32>
        %reduce_or3A = arith.constant 1.000000e+00 : f32
        %reduce_or3A_293 = arith.constant 0.000000e+00 : f32
        %reduce_or3A_294 = vector.broadcast %reduce_or3A : f32 to vector<1x512xf32>
        %reduce_or3A_295 = vector.broadcast %reduce_or3A_293 : f32 to vector<1x512xf32>
        %reduce_or3A_296 = arith.select %ne3A_292, %reduce_or3A_294, %reduce_or3A_295 : vector<1x512xi1>, vector<1x512xf32>
        %reduce_or3A_297 = vector.shape_cast %reduce_or3A_296 : vector<1x512xf32> to vector<1x1x512xf32>
        %reduce_or3A_298 = arith.constant dense<0xFF800000> : vector<1xf32>
        %reduce_or3A_299 = vector.multi_reduction <maximumf>, %reduce_or3A_297, %reduce_or3A_298 [1, 2] : vector<1x1x512xf32> to vector<1xf32>
        %reduce_or3A_300 = vector.shape_cast %reduce_or3A_299 : vector<1xf32> to vector<1x1x1xf32>
        %reduce_or3A_301 = vector.extract %reduce_or3A_300[0, 0, 0] : f32 from vector<1x1x1xf32>
        %reduce_or3A_302 = arith.constant 0.000000e+00 : f32
        %reduce_or3A_303 = arith.cmpf ogt, %reduce_or3A_301, %reduce_or3A_302 : f32
        scf.condition(%reduce_or3A_303) %while3A_290, %while3A_291 : vector<1x512xf32>, vector<1x512xf32>
      } do {
      ^bb0(%while3A_290: vector<1x512xf32>, %while3A_291: vector<1x512xf32>):
        %broadcast_in_dim3A_292 = arith.constant 1.000000e+00 : f32
        %broadcast_in_dim3A_293 = vector.broadcast %broadcast_in_dim3A_292 : f32 to vector<1x1xf32>
        %dot_general3A_294 = arith.constant dense<0.000000e+00> : vector<512x1xf32>
        %dot_general3A_295 = tpu.matmul %while3A_291, %broadcast_in_dim3A_293, %dot_general3A_294 {dimension_numbers = #tpu.dot_dimension_numbers<[0], [0], [1], [1], [0, 1, 1, 1], [], []>, precision = #tpu.contract_precision<fp32>, transpose_lhs_hint = false} : vector<1x512xf32>, vector<1x1xf32>, vector<512x1xf32> -> vector<512x1xf32>
        %mul3A_296 = vector.broadcast %dot_general3A_295 : vector<512x1xf32> to vector<512x512xf32>
        %mul3A_297 = arith.mulf %select_n3A_203, %mul3A_296 : vector<512x512xf32>
        %reduce_max3A_298 = arith.constant dense<0xFF800000> : vector<512xf32>
        %reduce_max3A_299 = vector.multi_reduction <maximumf>, %mul3A_297, %reduce_max3A_298 [0] : vector<512x512xf32> to vector<512xf32>
        %broadcast_in_dim3A_300 = vector.shape_cast %reduce_max3A_299 : vector<512xf32> to vector<1x512xf32>
        %gt3A_301 = arith.constant 5.000000e-01 : f32
        %gt3A_302 = vector.broadcast %gt3A_301 : f32 to vector<1x512xf32>
        %gt3A_303 = arith.cmpf ogt, %broadcast_in_dim3A_300, %gt3A_302 : vector<1x512xf32>
        %jit3A_304 = arith.constant 0.000000e+00 : f32
        %jit3A_305 = arith.constant 1.000000e+00 : f32
        %broadcast_in_dim3A_306 = vector.broadcast %jit3A_304 : f32 to vector<1x512xf32>
        %broadcast_in_dim3A_307 = vector.broadcast %jit3A_305 : f32 to vector<1x512xf32>
        %select_n3A_308 = arith.select %gt3A_303, %broadcast_in_dim3A_306, %broadcast_in_dim3A_307 : vector<1x512xi1>, vector<1x512xf32>
        %mul3A_309 = arith.mulf %select_n3A_220, %select_n3A_308 : vector<1x512xf32>
        scf.yield %while3A_291, %mul3A_309 : vector<1x512xf32>, vector<1x512xf32>
      }
      %swap3A_239 = arith.constant 0 : index
      %swap3A_240 = arith.index_cast %while3A_101 : i32 to index
      %swap3A_241 = arith.constant 0 : index
      %swap3A_242 = arith.constant 0 : index
      %swap3A_243 = vector.load %arg3[%swap3A_239, %swap3A_240, %swap3A_241, %swap3A_242] : memref<1x10x1x512xf32, #tpu.memory_space<vmem>>, vector<1x1x1x512xf32>
      %swap3A_244 = vector.shape_cast %swap3A_243 : vector<1x1x1x512xf32> to vector<1x512xf32>
      %swap3A_245 = vector.shape_cast %while3A_238#1 : vector<1x512xf32> to vector<1x1x1x512xf32>
      tpu.vector_store %arg3[%swap3A_239, %swap3A_240, %swap3A_241, %swap3A_242], %swap3A_245 {strides = array<i32>} : memref<1x10x1x512xf32, #tpu.memory_space<vmem>>, vector<1x1x1x512xf32>,
      %broadcast_in_dim3A_246 = arith.constant 1.000000e+00 : f32
      %broadcast_in_dim3A_247 = vector.broadcast %broadcast_in_dim3A_246 : f32 to vector<1x1xf32>
      %dot_general3A_248 = arith.constant dense<0.000000e+00> : vector<512x1xf32>
      %dot_general3A_249 = tpu.matmul %while3A_238#1, %broadcast_in_dim3A_247, %dot_general3A_248 {dimension_numbers = #tpu.dot_dimension_numbers<[0], [0], [1], [1], [0, 1, 1, 1], [], []>, precision = #tpu.contract_precision<fp32>, transpose_lhs_hint = false} : vector<1x512xf32>, vector<1x1xf32>, vector<512x1xf32> -> vector<512x1xf32>
      %add3A_250 = arith.constant 1 : i32
      %add3A_251 = arith.addi %while3A_101, %add3A_250 : i32
      %mul3A_252 = arith.constant 512 : i32
      %mul3A_253 = arith.muli %add3A_251, %mul3A_252 : i32
      %jit3A_254 = arith.constant 512 : i32
      %div3A_255 = arith.divsi %mul3A_253, %jit3A_254 : i32
      %sign3A_256 = arith.constant 0 : i32
      %sign3A_257 = arith.cmpi sgt, %mul3A_253, %sign3A_256 : i32
      %sign3A_258 = arith.extui %sign3A_257 : i1 to i32
      %sign3A_259 = arith.constant 0 : i32
      %sign3A_260 = arith.cmpi slt, %mul3A_253, %sign3A_259 : i32
      %sign3A_261 = arith.extui %sign3A_260 : i1 to i32
      %sign3A_262 = arith.subi %sign3A_258, %sign3A_261 : i32
      %sign3A_263 = arith.constant 0 : i32
      %sign3A_264 = arith.cmpi sgt, %jit3A_254, %sign3A_263 : i32
      %sign3A_265 = arith.extui %sign3A_264 : i1 to i32
      %sign3A_266 = arith.constant 0 : i32
      %sign3A_267 = arith.cmpi slt, %jit3A_254, %sign3A_266 : i32
      %sign3A_268 = arith.extui %sign3A_267 : i1 to i32
      %sign3A_269 = arith.subi %sign3A_265, %sign3A_268 : i32
      %ne3A_270 = arith.cmpi ne, %sign3A_262, %sign3A_269 : i32
      %rem3A_271 = arith.remsi %mul3A_253, %jit3A_254 : i32
      %ne3A_272 = arith.constant 0 : i32
      %ne3A_273 = arith.cmpi ne, %rem3A_271, %ne3A_272 : i32
      %and3A_274 = arith.andi %ne3A_270, %ne3A_273 : i1
      %sub3A_275 = arith.constant 1 : i32
      %sub3A_276 = arith.subi %div3A_255, %sub3A_275 : i32
      %select_n3A_277 = arith.select %and3A_274, %sub3A_276, %div3A_255 : i32
      %while3A_278 = arith.constant 0 : i32
      %while3A_279 = arith.subi %select_n3A_89, %select_n3A_277 : i32
      %while3A_280 = arith.addi %select_n3A_277, %while3A_279 : i32
      %while3A_281 = arith.constant 1 : i32
      %while3A_282 = arith.divsi %while3A_279, %while3A_281 : i32
      %while3A_283 = arith.muli %while3A_282, %while3A_281 : i32
      %while3A_284 = arith.addi %select_n3A_277, %while3A_283 : i32
      %while3A_285 = arith.constant 1 : i32
      %while3A_286 = scf.for %while3A_290 = %select_n3A_277 to %while3A_284 step %while3A_285 iter_args(%while3A_291 = %while3A_278) -> (i32)  : i32 {
        %get3A_292 = arith.constant 0 : index
        %get3A_293 = arith.constant 0 : index
        %get3A_294 = arith.index_cast %while3A_290 : i32 to index
        %get3A_295 = arith.constant 0 : index
        %get3A_296 = arith.constant 0 : index
        %get3A_297 = vector.load %arg2[%get3A_292, %get3A_293, %get3A_294, %get3A_295, %get3A_296] : memref<1x5x10x1x512xf32, #tpu.memory_space<vmem>>, vector<1x1x1x1x512xf32>
        %get3A_298 = vector.shape_cast %get3A_297 : vector<1x1x1x1x512xf32> to vector<1x512xf32>
        %get3A_299 = arith.constant 0 : index
        %get3A_300 = arith.constant 1 : index
        %get3A_301 = arith.index_cast %while3A_290 : i32 to index
        %get3A_302 = arith.constant 0 : index
        %get3A_303 = arith.constant 0 : index
        %get3A_304 = vector.load %arg2[%get3A_299, %get3A_300, %get3A_301, %get3A_302, %get3A_303] : memref<1x5x10x1x512xf32, #tpu.memory_space<vmem>>, vector<1x1x1x1x512xf32>
        %get3A_305 = vector.shape_cast %get3A_304 : vector<1x1x1x1x512xf32> to vector<1x512xf32>
        %get3A_306 = arith.constant 0 : index
        %get3A_307 = arith.constant 2 : index
        %get3A_308 = arith.index_cast %while3A_290 : i32 to index
        %get3A_309 = arith.constant 0 : index
        %get3A_310 = arith.constant 0 : index
        %get3A_311 = vector.load %arg2[%get3A_306, %get3A_307, %get3A_308, %get3A_309, %get3A_310] : memref<1x5x10x1x512xf32, #tpu.memory_space<vmem>>, vector<1x1x1x1x512xf32>
        %get3A_312 = vector.shape_cast %get3A_311 : vector<1x1x1x1x512xf32> to vector<1x512xf32>
        %get3A_313 = arith.constant 0 : index
        %get3A_314 = arith.constant 3 : index
        %get3A_315 = arith.index_cast %while3A_290 : i32 to index
        %get3A_316 = arith.constant 0 : index
        %get3A_317 = arith.constant 0 : index
        %get3A_318 = vector.load %arg2[%get3A_313, %get3A_314, %get3A_315, %get3A_316, %get3A_317] : memref<1x5x10x1x512xf32, #tpu.memory_space<vmem>>, vector<1x1x1x1x512xf32>
        %get3A_319 = vector.shape_cast %get3A_318 : vector<1x1x1x1x512xf32> to vector<1x512xf32>
        %get3A_320 = arith.index_cast %while3A_290 : i32 to index
        %get3A_321 = arith.constant 0 : index
        %get3A_322 = arith.constant 0 : index
        %get3A_323 = vector.load %arg5[%get3A_320, %get3A_321, %get3A_322] : memref<10x1x512xf32, #tpu.memory_space<vmem>>, vector<1x1x512xf32>
        %get3A_324 = vector.shape_cast %get3A_323 : vector<1x1x512xf32> to vector<1x512xf32>
        %max3A_325 = vector.broadcast %dot_general3A_149 : vector<512x1xf32> to vector<512x512xf32>
        %max3A_326 = vector.broadcast %get3A_298 : vector<1x512xf32> to vector<512x512xf32>
        %max3A_327 = arith.maximumf %max3A_325, %max3A_326 : vector<512x512xf32>
        %max3A_328 = vector.broadcast %dot_general3A_153 : vector<512x1xf32> to vector<512x512xf32>
        %max3A_329 = vector.broadcast %get3A_305 : vector<1x512xf32> to vector<512x512xf32>
        %max3A_330 = arith.maximumf %max3A_328, %max3A_329 : vector<512x512xf32>
        %min3A_331 = vector.broadcast %dot_general3A_157 : vector<512x1xf32> to vector<512x512xf32>
        %min3A_332 = vector.broadcast %get3A_312 : vector<1x512xf32> to vector<512x512xf32>
        %min3A_333 = arith.minimumf %min3A_331, %min3A_332 : vector<512x512xf32>
        %min3A_334 = vector.broadcast %dot_general3A_161 : vector<512x1xf32> to vector<512x512xf32>
        %min3A_335 = vector.broadcast %get3A_319 : vector<1x512xf32> to vector<512x512xf32>
        %min3A_336 = arith.minimumf %min3A_334, %min3A_335 : vector<512x512xf32>
        %sub3A_337 = arith.subf %min3A_333, %max3A_327 : vector<512x512xf32>
        %max3A_338 = arith.constant 0.000000e+00 : f32
        %max3A_339 = vector.broadcast %max3A_338 : f32 to vector<512x512xf32>
        %max3A_340 = arith.maximumf %sub3A_337, %max3A_339 : vector<512x512xf32>
        %sub3A_341 = arith.subf %min3A_336, %max3A_330 : vector<512x512xf32>
        %max3A_342 = arith.constant 0.000000e+00 : f32
        %max3A_343 = vector.broadcast %max3A_342 : f32 to vector<512x512xf32>
        %max3A_344 = arith.maximumf %sub3A_341, %max3A_343 : vector<512x512xf32>
        %mul3A_345 = arith.mulf %max3A_340, %max3A_344 : vector<512x512xf32>
        %add3A_346 = vector.broadcast %dot_general3A_165 : vector<512x1xf32> to vector<512x512xf32>
        %add3A_347 = vector.broadcast %get3A_324 : vector<1x512xf32> to vector<512x512xf32>
        %add3A_348 = arith.addf %add3A_346, %add3A_347 : vector<512x512xf32>
        %sub3A_349 = arith.subf %add3A_348, %mul3A_345 : vector<512x512xf32>
        %add3A_350 = arith.constant 9.99999971E-10 : f32
        %add3A_351 = vector.broadcast %add3A_350 : f32 to vector<512x512xf32>
        %add3A_352 = arith.addf %sub3A_349, %add3A_351 : vector<512x512xf32>
        %div3A_353 = arith.divf %mul3A_345, %add3A_352 : vector<512x512xf32>
        %gt3A_354 = arith.constant 4.500000e-01 : f32
        %gt3A_355 = vector.broadcast %gt3A_354 : f32 to vector<512x512xf32>
        %gt3A_356 = arith.cmpf ogt, %div3A_353, %gt3A_355 : vector<512x512xf32>
        %jit3A_357 = arith.constant 1.000000e+00 : f32
        %jit3A_358 = arith.constant 0.000000e+00 : f32
        %broadcast_in_dim3A_359 = vector.broadcast %jit3A_357 : f32 to vector<512x512xf32>
        %broadcast_in_dim3A_360 = vector.broadcast %jit3A_358 : f32 to vector<512x512xf32>
        %select_n3A_361 = arith.select %gt3A_356, %broadcast_in_dim3A_359, %broadcast_in_dim3A_360 : vector<512x512xi1>, vector<512x512xf32>
        %mul3A_362 = vector.broadcast %dot_general3A_249 : vector<512x1xf32> to vector<512x512xf32>
        %mul3A_363 = arith.mulf %select_n3A_361, %mul3A_362 : vector<512x512xf32>
        %reduce_max3A_364 = arith.constant dense<0xFF800000> : vector<512xf32>
        %reduce_max3A_365 = vector.multi_reduction <maximumf>, %mul3A_363, %reduce_max3A_364 [0] : vector<512x512xf32> to vector<512xf32>
        %broadcast_in_dim3A_366 = vector.shape_cast %reduce_max3A_365 : vector<512xf32> to vector<1x512xf32>
        %mul3A_367 = arith.constant 1 : i32
        %mul3A_368 = arith.muli %while3A_290, %mul3A_367 : i32
        %add3A_369 = arith.constant 0 : i32
        %add3A_370 = arith.addi %mul3A_368, %add3A_369 : i32
        %get3A_371 = arith.index_cast %add3A_370 : i32 to index
        %get3A_372 = arith.constant 0 : index
        %get3A_373 = arith.constant 0 : index
        %get3A_374 = vector.load %arg4[%get3A_371, %get3A_372, %get3A_373] : memref<10x1x512xf32, #tpu.memory_space<vmem>>, vector<1x1x512xf32>
        %get3A_375 = vector.shape_cast %get3A_374 : vector<1x1x512xf32> to vector<1x512xf32>
        %max3A_376 = arith.maximumf %get3A_375, %broadcast_in_dim3A_366 : vector<1x512xf32>
        %swap3A_377 = arith.index_cast %add3A_370 : i32 to index
        %swap3A_378 = arith.constant 0 : index
        %swap3A_379 = arith.constant 0 : index
        %swap3A_380 = vector.load %arg4[%swap3A_377, %swap3A_378, %swap3A_379] : memref<10x1x512xf32, #tpu.memory_space<vmem>>, vector<1x1x512xf32>
        %swap3A_381 = vector.shape_cast %swap3A_380 : vector<1x1x512xf32> to vector<1x512xf32>
        %swap3A_382 = vector.shape_cast %max3A_376 : vector<1x512xf32> to vector<1x1x512xf32>
        tpu.vector_store %arg4[%swap3A_377, %swap3A_378, %swap3A_379], %swap3A_382 {strides = array<i32>} : memref<10x1x512xf32, #tpu.memory_space<vmem>>, vector<1x1x512xf32>,
        %while3A_383 = arith.constant 0 : i32
        scf.yield %while3A_383 : i32
      }
      %while3A_287 = arith.constant 1 : i32
      %while3A_288 = scf.for %while3A_290 = %while3A_284 to %while3A_280 step %while3A_287 iter_args(%while3A_291 = %while3A_286) -> (i32)  : i32 {
        %get3A_292 = arith.constant 0 : index
        %get3A_293 = arith.constant 0 : index
        %get3A_294 = arith.index_cast %while3A_290 : i32 to index
        %get3A_295 = arith.constant 0 : index
        %get3A_296 = arith.constant 0 : index
        %get3A_297 = vector.load %arg2[%get3A_292, %get3A_293, %get3A_294, %get3A_295, %get3A_296] : memref<1x5x10x1x512xf32, #tpu.memory_space<vmem>>, vector<1x1x1x1x512xf32>
        %get3A_298 = vector.shape_cast %get3A_297 : vector<1x1x1x1x512xf32> to vector<1x512xf32>
        %get3A_299 = arith.constant 0 : index
        %get3A_300 = arith.constant 1 : index
        %get3A_301 = arith.index_cast %while3A_290 : i32 to index
        %get3A_302 = arith.constant 0 : index
        %get3A_303 = arith.constant 0 : index
        %get3A_304 = vector.load %arg2[%get3A_299, %get3A_300, %get3A_301, %get3A_302, %get3A_303] : memref<1x5x10x1x512xf32, #tpu.memory_space<vmem>>, vector<1x1x1x1x512xf32>
        %get3A_305 = vector.shape_cast %get3A_304 : vector<1x1x1x1x512xf32> to vector<1x512xf32>
        %get3A_306 = arith.constant 0 : index
        %get3A_307 = arith.constant 2 : index
        %get3A_308 = arith.index_cast %while3A_290 : i32 to index
        %get3A_309 = arith.constant 0 : index
        %get3A_310 = arith.constant 0 : index
        %get3A_311 = vector.load %arg2[%get3A_306, %get3A_307, %get3A_308, %get3A_309, %get3A_310] : memref<1x5x10x1x512xf32, #tpu.memory_space<vmem>>, vector<1x1x1x1x512xf32>
        %get3A_312 = vector.shape_cast %get3A_311 : vector<1x1x1x1x512xf32> to vector<1x512xf32>
        %get3A_313 = arith.constant 0 : index
        %get3A_314 = arith.constant 3 : index
        %get3A_315 = arith.index_cast %while3A_290 : i32 to index
        %get3A_316 = arith.constant 0 : index
        %get3A_317 = arith.constant 0 : index
        %get3A_318 = vector.load %arg2[%get3A_313, %get3A_314, %get3A_315, %get3A_316, %get3A_317] : memref<1x5x10x1x512xf32, #tpu.memory_space<vmem>>, vector<1x1x1x1x512xf32>
        %get3A_319 = vector.shape_cast %get3A_318 : vector<1x1x1x1x512xf32> to vector<1x512xf32>
        %get3A_320 = arith.index_cast %while3A_290 : i32 to index
        %get3A_321 = arith.constant 0 : index
        %get3A_322 = arith.constant 0 : index
        %get3A_323 = vector.load %arg5[%get3A_320, %get3A_321, %get3A_322] : memref<10x1x512xf32, #tpu.memory_space<vmem>>, vector<1x1x512xf32>
        %get3A_324 = vector.shape_cast %get3A_323 : vector<1x1x512xf32> to vector<1x512xf32>
        %max3A_325 = vector.broadcast %dot_general3A_149 : vector<512x1xf32> to vector<512x512xf32>
        %max3A_326 = vector.broadcast %get3A_298 : vector<1x512xf32> to vector<512x512xf32>
        %max3A_327 = arith.maximumf %max3A_325, %max3A_326 : vector<512x512xf32>
        %max3A_328 = vector.broadcast %dot_general3A_153 : vector<512x1xf32> to vector<512x512xf32>
        %max3A_329 = vector.broadcast %get3A_305 : vector<1x512xf32> to vector<512x512xf32>
        %max3A_330 = arith.maximumf %max3A_328, %max3A_329 : vector<512x512xf32>
        %min3A_331 = vector.broadcast %dot_general3A_157 : vector<512x1xf32> to vector<512x512xf32>
        %min3A_332 = vector.broadcast %get3A_312 : vector<1x512xf32> to vector<512x512xf32>
        %min3A_333 = arith.minimumf %min3A_331, %min3A_332 : vector<512x512xf32>
        %min3A_334 = vector.broadcast %dot_general3A_161 : vector<512x1xf32> to vector<512x512xf32>
        %min3A_335 = vector.broadcast %get3A_319 : vector<1x512xf32> to vector<512x512xf32>
        %min3A_336 = arith.minimumf %min3A_334, %min3A_335 : vector<512x512xf32>
        %sub3A_337 = arith.subf %min3A_333, %max3A_327 : vector<512x512xf32>
        %max3A_338 = arith.constant 0.000000e+00 : f32
        %max3A_339 = vector.broadcast %max3A_338 : f32 to vector<512x512xf32>
        %max3A_340 = arith.maximumf %sub3A_337, %max3A_339 : vector<512x512xf32>
        %sub3A_341 = arith.subf %min3A_336, %max3A_330 : vector<512x512xf32>
        %max3A_342 = arith.constant 0.000000e+00 : f32
        %max3A_343 = vector.broadcast %max3A_342 : f32 to vector<512x512xf32>
        %max3A_344 = arith.maximumf %sub3A_341, %max3A_343 : vector<512x512xf32>
        %mul3A_345 = arith.mulf %max3A_340, %max3A_344 : vector<512x512xf32>
        %add3A_346 = vector.broadcast %dot_general3A_165 : vector<512x1xf32> to vector<512x512xf32>
        %add3A_347 = vector.broadcast %get3A_324 : vector<1x512xf32> to vector<512x512xf32>
        %add3A_348 = arith.addf %add3A_346, %add3A_347 : vector<512x512xf32>
        %sub3A_349 = arith.subf %add3A_348, %mul3A_345 : vector<512x512xf32>
        %add3A_350 = arith.constant 9.99999971E-10 : f32
        %add3A_351 = vector.broadcast %add3A_350 : f32 to vector<512x512xf32>
        %add3A_352 = arith.addf %sub3A_349, %add3A_351 : vector<512x512xf32>
        %div3A_353 = arith.divf %mul3A_345, %add3A_352 : vector<512x512xf32>
        %gt3A_354 = arith.constant 4.500000e-01 : f32
        %gt3A_355 = vector.broadcast %gt3A_354 : f32 to vector<512x512xf32>
        %gt3A_356 = arith.cmpf ogt, %div3A_353, %gt3A_355 : vector<512x512xf32>
        %jit3A_357 = arith.constant 1.000000e+00 : f32
        %jit3A_358 = arith.constant 0.000000e+00 : f32
        %broadcast_in_dim3A_359 = vector.broadcast %jit3A_357 : f32 to vector<512x512xf32>
        %broadcast_in_dim3A_360 = vector.broadcast %jit3A_358 : f32 to vector<512x512xf32>
        %select_n3A_361 = arith.select %gt3A_356, %broadcast_in_dim3A_359, %broadcast_in_dim3A_360 : vector<512x512xi1>, vector<512x512xf32>
        %mul3A_362 = vector.broadcast %dot_general3A_249 : vector<512x1xf32> to vector<512x512xf32>
        %mul3A_363 = arith.mulf %select_n3A_361, %mul3A_362 : vector<512x512xf32>
        %reduce_max3A_364 = arith.constant dense<0xFF800000> : vector<512xf32>
        %reduce_max3A_365 = vector.multi_reduction <maximumf>, %mul3A_363, %reduce_max3A_364 [0] : vector<512x512xf32> to vector<512xf32>
        %broadcast_in_dim3A_366 = vector.shape_cast %reduce_max3A_365 : vector<512xf32> to vector<1x512xf32>
        %mul3A_367 = arith.constant 1 : i32
        %mul3A_368 = arith.muli %while3A_290, %mul3A_367 : i32
        %add3A_369 = arith.constant 0 : i32
        %add3A_370 = arith.addi %mul3A_368, %add3A_369 : i32
        %get3A_371 = arith.index_cast %add3A_370 : i32 to index
        %get3A_372 = arith.constant 0 : index
        %get3A_373 = arith.constant 0 : index
        %get3A_374 = vector.load %arg4[%get3A_371, %get3A_372, %get3A_373] : memref<10x1x512xf32, #tpu.memory_space<vmem>>, vector<1x1x512xf32>
        %get3A_375 = vector.shape_cast %get3A_374 : vector<1x1x512xf32> to vector<1x512xf32>
        %max3A_376 = arith.maximumf %get3A_375, %broadcast_in_dim3A_366 : vector<1x512xf32>
        %swap3A_377 = arith.index_cast %add3A_370 : i32 to index
        %swap3A_378 = arith.constant 0 : index
        %swap3A_379 = arith.constant 0 : index
        %swap3A_380 = vector.load %arg4[%swap3A_377, %swap3A_378, %swap3A_379] : memref<10x1x512xf32, #tpu.memory_space<vmem>>, vector<1x1x512xf32>
        %swap3A_381 = vector.shape_cast %swap3A_380 : vector<1x1x512xf32> to vector<1x512xf32>
        %swap3A_382 = vector.shape_cast %max3A_376 : vector<1x512xf32> to vector<1x1x512xf32>
        tpu.vector_store %arg4[%swap3A_377, %swap3A_378, %swap3A_379], %swap3A_382 {strides = array<i32>} : memref<10x1x512xf32, #tpu.memory_space<vmem>>, vector<1x1x512xf32>,
        %while3A_383 = arith.constant 0 : i32
        scf.yield %while3A_383 : i32
      }
      %while3A_289 = arith.constant 0 : i32
      scf.yield %while3A_289 : i32
    }
    return
  }
  func.func @transform_0(%arg0: i32) -> (i32, i32, i32, i32, i32) {
    %c0_i32 = arith.constant 0 : i32
    %c0_i32_0 = arith.constant 0 : i32
    %c0_i32_1 = arith.constant 0 : i32
    %c0_i32_2 = arith.constant 0 : i32
    %c0_i32_3 = arith.constant 0 : i32
    return %arg0, %c0_i32, %c0_i32_0, %c0_i32_1, %c0_i32_2 : i32, i32, i32, i32, i32
  }
  func.func @transform_1(%arg0: i32) -> (i32, i32, i32, i32, i32) {
    %c0_i32 = arith.constant 0 : i32
    %c0_i32_0 = arith.constant 0 : i32
    %c0_i32_1 = arith.constant 0 : i32
    %c0_i32_2 = arith.constant 0 : i32
    %c0_i32_3 = arith.constant 0 : i32
    return %arg0, %c0_i32, %c0_i32_0, %c0_i32_1, %c0_i32_2 : i32, i32, i32, i32, i32
  }
  func.func @transform_2(%arg0: i32) -> (i32, i32, i32, i32) {
    %c0_i32 = arith.constant 0 : i32
    %c0_i32_0 = arith.constant 0 : i32
    %c0_i32_1 = arith.constant 0 : i32
    %c0_i32_2 = arith.constant 0 : i32
    return %arg0, %c0_i32, %c0_i32_0, %c0_i32_1 : i32, i32, i32, i32
  }
}

</mosaic_0001>

<sc_bundles>
// kernel: gather_offload_async_start
scs
__scs_entry_jumppad:
0x0: {  	(pc) =	sbr.rel $0x88, $3  }
0x1: {  	(tag) =	ssettag $0x0;
	lr =	simm.s32 $0x1  }
0x2: {  	[smem:$0x3F9F] =	sst lr;
	_ =	strace $0xD0000000  }
0x3: {  	_ = 	snop  }
0x4: {  	_ = 	snop  }
0x5: {  	_ = 	snop  }
0x6: {  	_ = 	snop  }
0x7: {  	_ = 	snop  }
__scs_overlays_trampoline_lowered:
0x8: {  	[smem:$0x3FAE] =	sst s0  }
0x9: {  	[smem:$0x3FAF] =	sst s1  }
0xa: {  	[smem:$0x3FB0] =	sst s2  }
0xb: {  	[smem:$0x3FB1] =	sst s3  }
0xc: {  	[smem:$0x3FB2] =	sst s4  }
0xd: {  	[smem:$0x3FB3] =	sst s5  }
0xe: {  	[smem:$0x3FB4] =	sst s6  }
0xf: {  	[smem:$0x3FB5] =	sst s7  }
0x10: {  	[smem:$0x3FB6] =	sst s8  }
0x11: {  	[smem:$0x3FB7] =	sst s9;
	s0 =	simm.s32 @!p0 $0x0  }
0x12: {  	s1 =	sld [smem:$0x3F9D];
	s0 =	simm.s32 @p0 $0x1  }
0x13: {  	[smem:$0x3FB8] =	sst s0;
	s0 =	simm.s32 @!p1 $0x0  }
0x14: {  	s2 =	sld [smem:$0x3F9C];
	s0 =	simm.s32 @p1 $0x1  }
0x15: {  	[smem:$0x3FB9] =	sst s0;
	s0 =	simm.s32 @!p2 $0x0  }
0x16: {  	s3 =	sld [smem:$0x3FDB];
	s0 =	simm.s32 @p2 $0x1  }
0x17: {  	s4 =	simm.s32 $0x1BF5;
	[smem:$0x3FBB] =	sst s0  }
0x18: {  	s0 =	sld [smem:$0x3F9E];
	_ =	swait.ge [sflag:s4], $0x0  }
0x19: {  	s7 =	sld [smem:$0x3F9F]  }
0x1a: {  	s8 =	sadd.s32 $0xFFFFE003, lr  }
0x1b: {  	s9 =	sadd.s32 $0xFFFFFEF7, lr;
	s5 =	simm.s32 $0xFFFFFFFF;
	p2 =	slt.u32 s8, $0xFFFFF086  }
0x1c: {  	p1 =	slt.u32 s9, $0xF7A;
	s5 =	simm.s32 @!p2 $0x0  }
0x1d: {  	s5 =	simm.s32 @p1 $0x1;
	p0 =	seq.s32 s7, s2  }
0x1e: {  	s7 =	smul.u32 @!p0 $0xF7A, s2;
	p2 =	seq.s32 @!p0 s5, $0x0  }
0x1f: {  	s9 =	smul.u32 $0xF7A, s1;
	s8 =	simm.s32 @!p0 $0x1BF5;
	p2 =	por !p2, p0  }
0x20: {  	[sflag:s8] =	ssyncset.s32 @!p0 $0xFFFFF086;
	s6 =	sadd.s32 @!p0 s3, s7;
	s7 =	simm.s32 @!p0 $0x108  }
0x21: {  	s3 =	sadd.s32 s3, s9;
	s6 =	sadd.s32 @!p0 $0x88, s6;
	s7 =	simm.s32 @p2 $0x1082  }
0x22: {  	[simem:s7], [sflag:s8] =	dma.local @!p0 [hbm:s6], $0xF7A  }
0x23: {  	s9 =	sor.u32 $0xD0000000, s2;
	s6 =	simm.s32 $0x108;
	_ =	swait.ge @!p0 [sflag:s8], $0x0  }
0x24: {  	s3 =	sadd.s32 $0x88, s3;
	s6 =	simm.s32 @!p1 $0x1082;
	[sflag:s4] =	ssyncset.s32 $0xFFFFF086  }
0x25: {  	[simem:s6], [sflag:s4] =	dma.local [hbm:s3], $0xF7A  }
0x26: {  	[smem:$0x3F9F] =	sst s1;
	(tag) =	ssettag s2;
	_ =	strace s9  }
0x27: {  	s1 =	sld [smem:$0x3FAF]  }
0x28: {  	s2 =	sld [smem:$0x3FB0]  }
0x29: {  	s4 =	sld [smem:$0x3FB2]  }
0x2a: {  	p0 =	seq.s32 s5, $0x0;
	s5 =	sld [smem:$0x3FB3]  }
0x2b: {  	s6 =	sld [smem:$0x3FB4]  }
0x2c: {  	s7 =	sld [smem:$0x3FB5]  }
0x2d: {  	s3 =	simm.s32 $0x108;
	s8 =	sld [smem:$0x3FB6]  }
0x2e: {  	s3 =	simm.s32 @!p0 $0x1082;
	s9 =	sld [smem:$0x3FB7]  }
0x2f: {  	lr =	sadd.s32 s0, s3;
	s0 =	sld [smem:$0x3FAE]  }
0x30: {  	s3 =	sld [smem:$0x3FB1]  }
0x31: {  	[smem:$0x3FBA] =	sst s10  }
0x32: {  	s10 =	sld [smem:$0x3FB8];
	_ =	sdelay $0x3  }
0x33: {  	p0 =	seq.s32 s10, $0x1;
	s10 =	sld [smem:$0x3FBA];
	_ =	sdelay $0x3  }
0x34: {  	[smem:$0x3FBA] =	sst s10  }
0x35: {  	s10 =	sld [smem:$0x3FB9];
	_ =	sdelay $0x3  }
0x36: {  	p1 =	seq.s32 s10, $0x1;
	s10 =	sld [smem:$0x3FBA];
	_ =	sdelay $0x3  }
0x37: {  	[smem:$0x3FBA] =	sst s10  }
0x38: {  	s10 =	sld [smem:$0x3FBB]  }
0x39: {  	_ = 	snop;
	(pc) =	sbr.ind lr, $3  }
0x3a: {  	_ = 	snop  }
0x3b: {  	_ = 	snop  }
0x3c: {  	p2 =	seq.s32 s10, $0x1;
	s10 =	sld [smem:$0x3FBA]  }
0x3d: {  	_ =	shalt  }
0x3e: {  	_ =	shalt  }
0x3f: {  	_ =	shalt  }
0x40: {  	_ =	shalt  }
0x41: {  	_ =	shalt  }
0x42: {  	_ =	shalt  }
0x43: {  	_ =	shalt  }
0x44: {  	_ =	shalt  }
0x45: {  	_ =	shalt  }
0x46: {  	_ =	shalt  }
0x47: {  	_ =	shalt  }
0x48: {  	_ =	shalt  }
0x49: {  	_ =	shalt  }
0x4a: {  	_ =	shalt  }
0x4b: {  	_ =	shalt  }
0x4c: {  	_ =	shalt  }
0x4d: {  	_ =	shalt  }
0x4e: {  	_ =	shalt  }
0x4f: {  	_ =	shalt  }
0x50: {  	_ =	shalt  }
0x51: {  	_ =	shalt  }
0x52: {  	_ =	shalt  }
0x53: {  	_ =	shalt  }
0x54: {  	_ =	shalt  }
0x55: {  	_ =	shalt  }
0x56: {  	_ =	shalt  }
0x57: {  	_ =	shalt  }
0x58: {  	_ =	shalt  }
0x59: {  	_ =	shalt  }
0x5a: {  	_ =	shalt  }
0x5b: {  	_ =	shalt  }
0x5c: {  	_ =	shalt  }
0x5d: {  	_ =	shalt  }
0x5e: {  	_ =	shalt  }
0x5f: {  	_ =	shalt  }
0x60: {  	_ =	shalt  }
0x61: {  	_ =	shalt  }
0x62: {  	_ =	shalt  }
0x63: {  	_ =	shalt  }
0x64: {  	_ =	shalt  }
0x65: {  	_ =	shalt  }
0x66: {  	_ =	shalt  }
0x67: {  	_ =	shalt  }
0x68: {  	_ =	shalt  }
0x69: {  	_ =	shalt  }
0x6a: {  	_ =	shalt  }
0x6b: {  	_ =	shalt  }
0x6c: {  	_ =	shalt  }
0x6d: {  	_ =	shalt  }
0x6e: {  	_ =	shalt  }
0x6f: {  	_ =	shalt  }
0x70: {  	_ =	shalt  }
0x71: {  	_ =	shalt  }
0x72: {  	_ =	shalt  }
0x73: {  	_ =	shalt  }
0x74: {  	_ =	shalt  }
0x75: {  	_ =	shalt  }
0x76: {  	_ =	shalt  }
0x77: {  	_ =	shalt  }
0x78: {  	_ =	shalt  }
0x79: {  	_ =	shalt  }
0x7a: {  	_ =	shalt  }
0x7b: {  	_ =	shalt  }
0x7c: {  	_ =	shalt  }
0x7d: {  	_ =	shalt  }
0x7e: {  	_ =	shalt  }
0x7f: {  	_ =	shalt  }
0x80: {  	_ =	shalt  }
0x81: {  	_ =	shalt  }
0x82: {  	_ =	shalt  }
0x83: {  	_ =	shalt  }
0x84: {  	_ =	shalt  }
0x85: {  	_ =	shalt  }
0x86: {  	_ =	shalt  }
0x87: {  	_ =	shalt  }
.Lfunc_end0:
.L_simem_size_0:
called_computation_lowered:
.L_overlay_start_0:
0x88: {  	s2 =	sld [smem:$0x3FD9]  }
0x89: {  	s3 =	sld [smem:$0x3FFE];
	_ =	sdelay $0x1  }
0x8a: {  	s1 =	srdreg.scid  }
0x8b: {  	s0 =	sand.u32 $0x1, s1  }
0x8c: {  	s14 =	sshll.u32 s0, $0xA;
	s2 =	sadd.s32 s3, s2  }
0x8d: {  	s2 =	sadd.s32 s2, s14  }
0x8e: {  	[smem:$0x3FC6] =	sst s2  }
0x8f: {  	_ = 	snop  }
0x90: {  	s2 =	sld [smem:$0x3FD0];
	_ =	sdelay $0x2  }
0x91: {  	s15 =	simm.s32 $0xA;
	s4 =	simm.s32 $0x10  }
0x92: {  	[smem:s4], [sflag:s15] =	dma.local [hbm:s2], $0x1  }
0x93: {  	_ =	swait.eq [sflag:s15], $0x1  }
0x94: {  	[sflag:s15] =	ssyncset.done $0x0  }
0x95: {  	[sflag:s15] =	ssyncadd.s32 $0xFFFFFFFF  }
0x96: {  	s16 =	sld [smem:$0x11];
	(tm) =	ssettm $0x1  }
0x97: {  	s17 =	sld [smem:$0x3FFB];
	_ =	sdelay $0x3  }
0x98: {  	_ =	strace s17  }
0x99: {  	s3 =	sld [smem:$0x3FFC];
	_ =	sdelay $0x3  }
0x9a: {  	_ =	strace s3  }
0x9b: {  	s3 =	sld [smem:$0x3FFD];
	_ =	sdelay $0x3  }
0x9c: {  	_ =	strace s3  }
0x9d: {  	_ =	strace $0x8FFFFFFF  }
0x9e: {  	s18 =	sld [smem:$0x3FDB];
	_ =	sdelay $0x1  }
0x9f: {  	s19 =	simm.s32 $_scs_section_size  }
0xa0: {  	s5 =	simm.s32 $_size__tile_overlayer_lowered;
	s6 =	simm.s32 $_tile_overlayer_lowered  }
0xa1: {  	s22 =	simm.s32 $0x1BFF;
	s21 =	sshll.u32 s6, $0x1;
	s3 =	sadd.s32 s19, s18  }
0xa2: {  	s7 =	simm.s32 $0x0;
	s20 =	sshll.u32 s5, $0x1;
	s5 =	sadd.s32 s21, s3  }
0xa3: {  	[timem:s7], [sflag:s22] =	dma.local [hbm:s5], s20  }
0xa4: {  	_ =	swait.ge [sflag:s22], s20  }
0xa5: {  	s4 =	ssub.s32 $0x0, s20;
	[sflag:s22] =	ssyncset.done $0x0  }
0xa6: {  	[sflag:s22] =	ssyncadd.s32 s4;
	_ =	sdelay $0x1  }
0xa7: {  	s23 =	simm.s32 $0x1B8B  }
0xa8: {  	_ =	swait.ge [sflag:s23], $0x1  }
0xa9: {  	[sflag:s23] =	ssyncset.done $0x0  }
0xaa: {  	s25 =	simm.s32 $0x1B8E;
	s24 =	sld [smem:$0x3FFE];
	[sflag:s23] =	ssyncadd.s32 $0xFFFFFFFF  }
0xab: {  	s26 =	simm.s32 $execute0_lowered;
	[smem:$0x3FD2] =	sst s25  }
0xac: {  	s5 =	sshll.u32 s26, $0x1;
	_ =	strace $0x80000046;
	[dreg:$0x1] =	wrdreg $0xFFFFFFFF  }
0xad: {  	s28 =	simm.s32 $_size_execute0_lowered;
	s3 =	sadd.s32 s3, s5;
	[dreg:$0x0] =	wrdreg $0x0  }
0xae: {  	s5 =	sshll.u32 s28, $0x1;
	[dreg:$0x2] =	wrdreg s3  }
0xaf: {  	[dreg:$0x3] =	wrdreg s5  }
0xb0: {  	[dreg:$0x4] =	wrdreg $0xC0  }
0xb1: {  	_ =	task [dreg:s7], $0x5FFFF  }
0xb2: {  	[dreg:$0x1] =	wrdreg $0xFFFFFFFF  }
0xb3: {  	[dreg:$0x0] =	wrdreg $0x60  }
0xb4: {  	[dreg:$0x2] =	wrdreg s24  }
0xb5: {  	[dreg:$0x3] =	wrdreg s16  }
0xb6: {  	[dreg:$0x4] =	wrdreg $0x9  }
0xb7: {  	_ =	task.clear_ibuf [dreg:s7], $0x5FFFF;
	_ =	strace $0x90000046  }
0xb8: {  	s29 =	simm.s32 $0x9;
	_ =	strace $0x80000048  }
0xb9: {  	_ =	swait.ge [sflag:s29], $0x1  }
0xba: {  	[sflag:s29] =	ssyncadd.s32 $0xFFFFFFFF  }
0xbb: {  	_ =	strace $0x90000048  }
0xbc: {  	_ =	sfence  }
0xbd: {  	s30 =	sld [smem:$0x0];
	_ =	sdelay $0x2  }
0xbe: {  	s31 =	sshll.u32 s1, $0xD;
	s1 =	sshrl.u32 s1, $0x2  }
0xbf: {  	s3 =	sand.u32 $0x4000, s31;
	s1 =	sadd.s32 s1, s30  }
0xc0: {  	s0 =	sor.u32 s3, s0;
	s1 =	sshll.u32 s1, $0x11  }
0xc1: {  	s0 =	sor.u32 s1, s0  }
0xc2: {  	s0 =	sadd.s32 $0x8F2B, s0  }
0xc3: {  	[sflag:s0] =	ssyncadd.remote.s32 $0x1  }
0xc4: {  	_ =	sfence.sel $0xFFFF  }
0xc5: {  	[dreg:$0x0] =	wrdreg $0xFFFFFFFF;
	(pc) =	sbr.abs _section_cstart, $3  }
0xc6: {  	[dreg:$0x1] =	wrdreg $0xFFFFFFFF  }
0xc7: {  	_ =	task.clear_ibuf [dreg:s7], $0x2FFFF;
	_ =	strace $0x9FFFFFFF  }
0xc8: {  	(tm) =	ssettm $0x7FFFFFFF  }
0xc9: {  	_ =	shalt  }
tec
execute0_lowered:
.L_overlay_start_1:
0x0: {  	(tag) =	ssettag $0x1  }
0x1: {  	s0 =	srdreg.scid  }
0x2: {  	s1 =	sshll.u32 s0, $0x4  }
0x3: {  	s0 =	stileid.u32;
	s1 =	sand.u32 $0x10, s1  }
0x4: {  	s2 =	sor.u32 s0, s1  }
0x5: {  	s1 =	smin.u32 s2, $0x12  }
0x6: {  	s1 =	sadd.s32 s2, s1  }
0x7: {  	p0 =	slt.u32 s2, $0x12;
	s2 =	simm.s32 $0x320;
	s1 =	smul.u32 $0x190, s1  }
0x8: {  	s2 =	simm.s32 @!p0 $0x190  }
0x9: {  	s2 =	sadd.s32 s2, s1  }
0xa: {  	s3 =	smin.u32 s2, $0x4E20  }
0xb: {  	s7 =	ssub.s32 s3, s1  }
0xc: {  	p0 =	sgt.s32 s7, $0x0  }
0xd: {  	s7 =	simm.s32 @!p0 $0x0  }
0xe: {  	s31 =	sand.u32 $0xFFF0, s7  }
0xf: {  	s2 =	sshrl.u32 s31, $0x4  }
0x10: {  	s4 =	rddreg [dreg:$0x0];
	s2 =	smul.u32 $0xA3E, s2  }
0x11: {  	s5 =	rddreg [dreg:$0x1]  }
0x12: {  	s6 =	simm.s32 $0x1;
	s10 =	simm.s32 $0x3;
	s8 =	sshrl.u32 s2, $0x10  }
0x13: {  	s13 =	simm.s32 $0x0;
	s12 =	simm.s32 $0x0;
	s9 =	smul.u32 $0x190, s8  }
.Ltmp0:
0x14: {  	s11 =	smov.u32 s1;
	s2 =	rddreg [dreg:$0x2];
	(pc) =	sbr.rel .LBB2_1-.Ltmp0, $4  }
0x15: {  	_ =	strace $0x80000047;
	p0 =	sne.s32 s7, s9;
	s9 =	simm.s32 $0x1  }
0x16: {  	[sflag:s6] =	ssyncpa.u1 $0x0;
	s7 =	simm.s32 $0x2;
	s9 =	simm.s32 @!p0 $0x0  }
0x17: {  	[sflag:s7] =	ssyncpa.u1 $0x0;
	p0 =	por $0x0, $0x0;
	s8 =	sadd.s32 s8, s9  }
0x18: {  	vm0 =	vmmov $0xff;
	vm1 =	vcmask $0x3F20;
	s9 =	sadd.s32 $0x9C400, s4;
	[sflag:s10] =	ssyncpa.u1 $0x0;
	s10 =	sadd.s32 $0x1, s8  }
.LBB2_6:
0x19: {  	[hbm:s17] =	stream.linear.scatter [tilespmem:s14], [sflag:$0x3], $0x400, $0x38;
	[tilespmem:$0x19320] =	vst v63  }
.LBB2_7:
0x1a: {  	s13 =	sadd.s32 $0x190, s11  }
0x1b: {  	s15 =	smov.u32 s1;
	p2 =	slt.s32 s13, s3  }
0x1c: {  	s15 =	smov.u32 @p2 s13;
	p2 =	sne.s32 s12, s10  }
.Ltmp1:
0x1d: {  	p1 =	slt.u32 s12, $0x2;
	(pc) =	sbr.rel @!p2 .LBB2_8-.Ltmp1, $4  }
0x1e: {  	s14 =	simm.s32 @!p1 $0x3  }
0x1f: {  	s16 =	sadd.s32 $0x1, s12;
	_ =	swait.ge @!p1 [sflag:s14], $0xC800  }
0x20: {  	p0 =	por !p0, !p0;
	s13 =	smov.u32 s11;
	[sflag:s14] =	ssyncset.done @!p1 $0x0  }
0x21: {  	s12 =	smov.u32 s16;
	s11 =	smov.u32 s15;
	[sflag:s14] =	ssyncadd.s32 @!p1 $0xFFFF3800  }
.LBB2_1:
0x22: {  	p1 =	sge.u32 s12, s8  }
0x23: {  	s14 =	sxor.u32 @!p1 $0xFFFFFFFF, s12  }
0x24: {  	s14 =	sand.u32 @!p1 $0x1, s14  }
0x25: {  	s14 =	smul.u32 @!p1 $0x640, s14  }
0x26: {  	s31 =	sadd.s32 $0xFFFFFFFF, s12;
	s15 =	sshrl.u32 @!p1 s11, $0x3  }
0x27: {  	s16 =	sand.u32 @!p1 $0x7, s11;
	s15 =	sadd.s32 @!p1 s5, s15;
	s14 =	sshrl.u32 @!p1 s14, $0x2  }
0x28: {  	[tilespmem:s14], [sflag:$0x2] =	stream.linear.gather @!p1 [hbm4b:s15+s16], $0x190, $0x38;
	[tilespmem:$0x19320] =	vst v63  }
0x29: {  	p1 =	sge.u32 s31, s8  }
.Ltmp2:
0x2a: {  	_ = 	snop;
	(pc) =	sbr.rel @p1 .LBB2_7-.Ltmp2, $1  }
0x2b: {  	_ =	sdelay $0x3  }
0x2c: {  	s14 =	simm.s32 $0x1  }
0x2d: {  	s14 =	simm.s32 @!p0 $0x0  }
0x2e: {  	s15 =	smul.u32 $0x640, s14  }
0x2f: {  	_ =	swait.ge [sflag:s7], $0x190  }
0x30: {  	[sflag:s7] =	ssyncset.done $0x0;
	s16 =	sshrl.u32 s15, $0x2  }
0x31: {  	[sflag:s7] =	ssyncadd.s32 $0xFFFFFE70;
	s15 =	sadd.s32 $0x0, s16  }
0x32: {  	v0 =	vld.msk [tilespmem:s15+$0x0 ss:$0x1], $0xffff;
	_ =	sdelay $0x4  }
0x33: {  	v1 =	vand.u32 $0x3, v0;
	v2 =	vshll.u32 v0, $0x5  }
0x34: {  	vm2 =	veq.s32 v0, $0x80000000;
	v0 =	vmul.u32 $0x9C400, v1;
	v1 =	vand.u32 $0xFFF80, v2  }
0x35: {  	v1 =	vsel vm2, $0xFFFFFF80, v1  }
0x36: {  	v0 =	vsel vm2, $0xFFF63C00, v0;
	v2 =	vand.u32 $0xFFFFFC00, v1  }
0x37: {  	v1 =	vand.u32 $0x380, v1;
	v0 =	vadd.s32 v0, v2  }
0x38: {  	v0 =	vor.u32 v1, v0  }
0x39: {  	v0 =	vshrl.u32 v0, $0x3  }
0x3a: {  	s14 =	smul.u32 $0x32000, s14;
	_ =	sdelay $0x1  }
0x3b: {  	s14 =	sshrl.u32 s14, $0x2  }
0x3c: {  	s14 =	sor.u32 $0x320, s14  }
0x3d: {  	[tilespmem:s14], [sflag:$0x1] =	stream.indirect_vreg.gather [hbm:s4], $0x80, v0, vm0, $0x38;
	[tilespmem:$0x19320] =	vst v63  }
0x3e: {  	s17 =	sadd.s32 $0x10, s16;
	s15 =	sadd.s32 $0x400, s14  }
0x3f: {  	[tilespmem:s15], [sflag:$0x1] =	stream.indirect_vreg.gather [hbm:s4], $0x80, v0, vm1, $0x38;
	[tilespmem:$0x19320] =	vst v63  }
0x40: {  	s18 =	simm.s32 $0x80;
	v0 =	vld.msk [tilespmem:s17+$0x0 ss:$0x1], $0xffff;
	s17 =	smov.u32 s14  }
.LBB2_3:
0x41: {  	p1 =	sne.s32 s18, $0x600;
	_ =	sdelay $0x4  }
0x42: {  	v1 =	vand.u32 $0x3, v0;
	v2 =	vshll.u32 v0, $0x5  }
0x43: {  	vm2 =	veq.s32 v0, $0x80000000;
	v0 =	vmul.u32 $0x9C400, v1;
	v1 =	vand.u32 $0xFFF80, v2  }
0x44: {  	v1 =	vsel vm2, $0xFFFFFF80, v1  }
0x45: {  	v0 =	vsel vm2, $0xFFF63C00, v0;
	v2 =	vand.u32 $0xFFFFFC00, v1  }
0x46: {  	v1 =	vand.u32 $0x380, v1;
	v0 =	vadd.s32 v0, v2  }
0x47: {  	v0 =	vor.u32 v1, v0  }
0x48: {  	v0 =	vshrl.u32 v0, $0x3;
	_ =	sdelay $0x3  }
.Ltmp3:
0x49: {  	s19 =	sshra.s32 s18, $0x2;
	s17 =	sadd.s32 $0x800, s17;
	(pc) =	sbr.rel @p1 .LBB2_3-.Ltmp3, $4  }
0x4a: {  	[tilespmem:s17], [sflag:$0x1] =	stream.indirect_vreg.gather [hbm:s4], $0x80, v0, vm0, $0x38;
	[tilespmem:$0x19320] =	vst v63  }
0x4b: {  	s19 =	sadd.s32 s19, s16;
	s20 =	sadd.s32 $0x400, s17  }
0x4c: {  	[tilespmem:s20], [sflag:$0x1] =	stream.indirect_vreg.gather [hbm:s4], $0x80, v0, vm1, $0x38;
	[tilespmem:$0x19320] =	vst v63  }
0x4d: {  	s18 =	sadd.s32 $0x40, s18;
	v0 =	vld.msk [tilespmem:s19+$0x0 ss:$0x1], $0xffff  }
0x4e: {  	_ =	sdelay $0x3  }
0x4f: {  	v1 =	vand.u32 $0x3, v0;
	v2 =	vshll.u32 v0, $0x5  }
0x50: {  	vm2 =	veq.s32 v0, $0x80000000;
	v61 =	vmul.u32 $0x9C400, v1;
	v62 =	vand.u32 $0xFFF80, v2  }
0x51: {  	v1 =	vsel vm2, $0xFFFFFF80, v62  }
0x52: {  	v0 =	vsel vm2, $0xFFF63C00, v61;
	v63 =	vand.u32 $0xFFFFFC00, v1  }
0x53: {  	v1 =	vand.u32 $0x380, v1;
	v0 =	vadd.s32 v0, v63  }
0x54: {  	v0 =	vor.u32 v1, v0  }
0x55: {  	v0 =	vshrl.u32 v0, $0x3;
	_ =	sdelay $0x3  }
0x56: {  	s16 =	sadd.s32 $0x800, s17  }
0x57: {  	[tilespmem:s16], [sflag:$0x1] =	stream.indirect_vreg.gather [hbm:s4], $0x80, v0, vm0, $0x38;
	[tilespmem:$0x19320] =	vst v63  }
0x58: {  	s16 =	sadd.s32 $0x400, s16  }
0x59: {  	[tilespmem:s16], [sflag:$0x1] =	stream.indirect_vreg.gather [hbm:s4], $0x80, v0, vm1, $0x38;
	[tilespmem:$0x19320] =	vst v63  }
0x5a: {  	s13 =	sshll.u32 s13, $0x4;
	_ =	swait.ge [sflag:s6], $0xC800  }
0x5b: {  	s13 =	sadd.s32 s13, s9;
	[sflag:s6] =	ssyncset.done $0x0  }
0x5c: {  	s17 =	sadd.s32 $0x0, s13;
	s16 =	simm.s32 $0x80;
	[sflag:s6] =	ssyncadd.s32 $0xFFFF3800  }
.LBB2_5:
0x5d: {  	[hbm:s17] =	stream.linear.scatter [tilespmem:s14], [sflag:$0x3], $0x400, $0x38;
	[tilespmem:$0x19320] =	vst v63  }
0x5e: {  	s17 =	smov.u32 s16;
	s14 =	smov.u32 s15;
	p1 =	sne.s32 s16, $0x1880  }
.Ltmp4:
0x5f: {  	s16 =	sadd.s32 $0x80, s16;
	(pc) =	sbr.rel @p1 .LBB2_5-.Ltmp4, $2  }
0x60: {  	_ =	sdelay $0x2  }
0x61: {  	s15 =	sadd.s32 $0x400, s15;
	s17 =	sadd.s32 s17, s13  }
.Ltmp5:
0x62: {  	_ = 	snop;
	(pc) =	sbr.rel .LBB2_6-.Ltmp5, $1  }
0x63: {  	_ =	sdelay $0x3  }
.LBB2_8:
0x64: {  	_ =	sfence.sel $0x180000  }
0x65: {  	s1 =	simm.s32 $0x2;
	[bflag:$0x0] =	sbarrier.arrive $0xFFFF  }
0x66: {  	s30 =	simm.s32 $0x3;
	[sflag:s1] =	ssyncpa.u1 $0x1  }
0x67: {  	s31 =	simm.s32 $0x1;
	[sflag:s30] =	ssyncpa.u1 $0x1  }
0x68: {  	[sflag:s31] =	ssyncpa.u1 $0x1  }
0x69: {  	p0 =	sne.s32 s0, $0x0;
	_ =	strace $0x90000047  }
0x6a: {  	s0 =	sadd.s32 @!p0 $0x100000, s2;
	[bflag:$0x2] =	sbarrier.arrive $0xFFFF  }
0x6b: {  	[sflag:s0] =	ssyncadd.tile.s32 @!p0 $0x1;
	_ =	shalt  }
.Lfunc_end2:
_tile_overlayer_lowered:
.L_overlay_start_2:
0x6c: {  	(tag) =	ssettag $0x2  }
0x6d: {  	s0 =	rddreg [dreg:$0x0];
	s2 =	stileid.u32  }
0x6e: {  	s1 =	rddreg [dreg:$0x1];
	p0 =	sne.s32 s2, $0x0  }
0x6f: {  	s3 =	rddreg [dreg:$0x2];
	[bflag:$0x3] =	sbarrier.arrive $0xFFFF;
	s2 =	simm.s32 @!p0 $0x1C01  }
0x70: {  	[timem:s3], [sflag:s2] =	dma.local @!p0 [hbm:s0], s1  }
0x71: {  	s0 =	simm.s32 @!p0 $0x1  }
0x72: {  	_ =	swait.ge @!p0 [sflag:s0], s1  }
0x73: {  	s1 =	ssub.s32 @!p0 $0x0, s1;
	[sflag:s0] =	ssyncset.done @!p0 $0x0  }
0x74: {  	[sflag:s0] =	ssyncadd.s32 @!p0 s1  }
0x75: {  	[bflag:$0x3] =	sbarrier.arrive $0xFFFF  }
0x76: {  	_ =	shalt  }

// kernel: kernel.5.cloned.1.call-start
scs
__scs_entry_jumppad:
0x0: {  	(pc) =	sbr.rel $0x88, $3  }
0x1: {  	(tag) =	ssettag $0x0;
	lr =	simm.s32 $0x1  }
0x2: {  	[smem:$0x3F9F] =	sst lr;
	_ =	strace $0xD0000000  }
0x3: {  	_ = 	snop  }
0x4: {  	_ = 	snop  }
0x5: {  	_ = 	snop  }
0x6: {  	_ = 	snop  }
0x7: {  	_ = 	snop  }
__scs_overlays_trampoline_lowered:
0x8: {  	[smem:$0x3FAE] =	sst s0  }
0x9: {  	[smem:$0x3FAF] =	sst s1  }
0xa: {  	[smem:$0x3FB0] =	sst s2  }
0xb: {  	[smem:$0x3FB1] =	sst s3  }
0xc: {  	[smem:$0x3FB2] =	sst s4  }
0xd: {  	[smem:$0x3FB3] =	sst s5  }
0xe: {  	[smem:$0x3FB4] =	sst s6  }
0xf: {  	[smem:$0x3FB5] =	sst s7  }
0x10: {  	[smem:$0x3FB6] =	sst s8  }
0x11: {  	[smem:$0x3FB7] =	sst s9;
	s0 =	simm.s32 @!p0 $0x0  }
0x12: {  	s1 =	sld [smem:$0x3F9D];
	s0 =	simm.s32 @p0 $0x1  }
0x13: {  	[smem:$0x3FB8] =	sst s0;
	s0 =	simm.s32 @!p1 $0x0  }
0x14: {  	s2 =	sld [smem:$0x3F9C];
	s0 =	simm.s32 @p1 $0x1  }
0x15: {  	[smem:$0x3FB9] =	sst s0;
	s0 =	simm.s32 @!p2 $0x0  }
0x16: {  	s3 =	sld [smem:$0x3FDB];
	s0 =	simm.s32 @p2 $0x1  }
0x17: {  	s4 =	simm.s32 $0x1BF5;
	[smem:$0x3FBB] =	sst s0  }
0x18: {  	s0 =	sld [smem:$0x3F9E];
	_ =	swait.ge [sflag:s4], $0x0  }
0x19: {  	s7 =	sld [smem:$0x3F9F]  }
0x1a: {  	s8 =	sadd.s32 $0xFFFFE003, lr  }
0x1b: {  	s9 =	sadd.s32 $0xFFFFFEF7, lr;
	s5 =	simm.s32 $0xFFFFFFFF;
	p2 =	slt.u32 s8, $0xFFFFF086  }
0x1c: {  	p1 =	slt.u32 s9, $0xF7A;
	s5 =	simm.s32 @!p2 $0x0  }
0x1d: {  	s5 =	simm.s32 @p1 $0x1;
	p0 =	seq.s32 s7, s2  }
0x1e: {  	s7 =	smul.u32 @!p0 $0xF7A, s2;
	p2 =	seq.s32 @!p0 s5, $0x0  }
0x1f: {  	s9 =	smul.u32 $0xF7A, s1;
	s8 =	simm.s32 @!p0 $0x1BF5;
	p2 =	por !p2, p0  }
0x20: {  	[sflag:s8] =	ssyncset.s32 @!p0 $0xFFFFF086;
	s6 =	sadd.s32 @!p0 s3, s7;
	s7 =	simm.s32 @!p0 $0x108  }
0x21: {  	s3 =	sadd.s32 s3, s9;
	s6 =	sadd.s32 @!p0 $0x88, s6;
	s7 =	simm.s32 @p2 $0x1082  }
0x22: {  	[simem:s7], [sflag:s8] =	dma.local @!p0 [hbm:s6], $0xF7A  }
0x23: {  	s9 =	sor.u32 $0xD0000000, s2;
	s6 =	simm.s32 $0x108;
	_ =	swait.ge @!p0 [sflag:s8], $0x0  }
0x24: {  	s3 =	sadd.s32 $0x88, s3;
	s6 =	simm.s32 @!p1 $0x1082;
	[sflag:s4] =	ssyncset.s32 $0xFFFFF086  }
0x25: {  	[simem:s6], [sflag:s4] =	dma.local [hbm:s3], $0xF7A  }
0x26: {  	[smem:$0x3F9F] =	sst s1;
	(tag) =	ssettag s2;
	_ =	strace s9  }
0x27: {  	s1 =	sld [smem:$0x3FAF]  }
0x28: {  	s2 =	sld [smem:$0x3FB0]  }
0x29: {  	s4 =	sld [smem:$0x3FB2]  }
0x2a: {  	p0 =	seq.s32 s5, $0x0;
	s5 =	sld [smem:$0x3FB3]  }
0x2b: {  	s6 =	sld [smem:$0x3FB4]  }
0x2c: {  	s7 =	sld [smem:$0x3FB5]  }
0x2d: {  	s3 =	simm.s32 $0x108;
	s8 =	sld [smem:$0x3FB6]  }
0x2e: {  	s3 =	simm.s32 @!p0 $0x1082;
	s9 =	sld [smem:$0x3FB7]  }
0x2f: {  	lr =	sadd.s32 s0, s3;
	s0 =	sld [smem:$0x3FAE]  }
0x30: {  	s3 =	sld [smem:$0x3FB1]  }
0x31: {  	[smem:$0x3FBA] =	sst s10  }
0x32: {  	s10 =	sld [smem:$0x3FB8];
	_ =	sdelay $0x3  }
0x33: {  	p0 =	seq.s32 s10, $0x1;
	s10 =	sld [smem:$0x3FBA];
	_ =	sdelay $0x3  }
0x34: {  	[smem:$0x3FBA] =	sst s10  }
0x35: {  	s10 =	sld [smem:$0x3FB9];
	_ =	sdelay $0x3  }
0x36: {  	p1 =	seq.s32 s10, $0x1;
	s10 =	sld [smem:$0x3FBA];
	_ =	sdelay $0x3  }
0x37: {  	[smem:$0x3FBA] =	sst s10  }
0x38: {  	s10 =	sld [smem:$0x3FBB]  }
0x39: {  	_ = 	snop;
	(pc) =	sbr.ind lr, $3  }
0x3a: {  	_ = 	snop  }
0x3b: {  	_ = 	snop  }
0x3c: {  	p2 =	seq.s32 s10, $0x1;
	s10 =	sld [smem:$0x3FBA]  }
0x3d: {  	_ =	shalt  }
0x3e: {  	_ =	shalt  }
0x3f: {  	_ =	shalt  }
0x40: {  	_ =	shalt  }
0x41: {  	_ =	shalt  }
0x42: {  	_ =	shalt  }
0x43: {  	_ =	shalt  }
0x44: {  	_ =	shalt  }
0x45: {  	_ =	shalt  }
0x46: {  	_ =	shalt  }
0x47: {  	_ =	shalt  }
0x48: {  	_ =	shalt  }
0x49: {  	_ =	shalt  }
0x4a: {  	_ =	shalt  }
0x4b: {  	_ =	shalt  }
0x4c: {  	_ =	shalt  }
0x4d: {  	_ =	shalt  }
0x4e: {  	_ =	shalt  }
0x4f: {  	_ =	shalt  }
0x50: {  	_ =	shalt  }
0x51: {  	_ =	shalt  }
0x52: {  	_ =	shalt  }
0x53: {  	_ =	shalt  }
0x54: {  	_ =	shalt  }
0x55: {  	_ =	shalt  }
0x56: {  	_ =	shalt  }
0x57: {  	_ =	shalt  }
0x58: {  	_ =	shalt  }
0x59: {  	_ =	shalt  }
0x5a: {  	_ =	shalt  }
0x5b: {  	_ =	shalt  }
0x5c: {  	_ =	shalt  }
0x5d: {  	_ =	shalt  }
0x5e: {  	_ =	shalt  }
0x5f: {  	_ =	shalt  }
0x60: {  	_ =	shalt  }
0x61: {  	_ =	shalt  }
0x62: {  	_ =	shalt  }
0x63: {  	_ =	shalt  }
0x64: {  	_ =	shalt  }
0x65: {  	_ =	shalt  }
0x66: {  	_ =	shalt  }
0x67: {  	_ =	shalt  }
0x68: {  	_ =	shalt  }
0x69: {  	_ =	shalt  }
0x6a: {  	_ =	shalt  }
0x6b: {  	_ =	shalt  }
0x6c: {  	_ =	shalt  }
0x6d: {  	_ =	shalt  }
0x6e: {  	_ =	shalt  }
0x6f: {  	_ =	shalt  }
0x70: {  	_ =	shalt  }
0x71: {  	_ =	shalt  }
0x72: {  	_ =	shalt  }
0x73: {  	_ =	shalt  }
0x74: {  	_ =	shalt  }
0x75: {  	_ =	shalt  }
0x76: {  	_ =	shalt  }
0x77: {  	_ =	shalt  }
0x78: {  	_ =	shalt  }
0x79: {  	_ =	shalt  }
0x7a: {  	_ =	shalt  }
0x7b: {  	_ =	shalt  }
0x7c: {  	_ =	shalt  }
0x7d: {  	_ =	shalt  }
0x7e: {  	_ =	shalt  }
0x7f: {  	_ =	shalt  }
0x80: {  	_ =	shalt  }
0x81: {  	_ =	shalt  }
0x82: {  	_ =	shalt  }
0x83: {  	_ =	shalt  }
0x84: {  	_ =	shalt  }
0x85: {  	_ =	shalt  }
0x86: {  	_ =	shalt  }
0x87: {  	_ =	shalt  }
.Lfunc_end0:
.L_simem_size_0:
called_computation.1_lowered:
.L_overlay_start_0:
0x88: {  	s2 =	sld [smem:$0x3FD9]  }
0x89: {  	s3 =	sld [smem:$0x3FFE];
	_ =	sdelay $0x1  }
0x8a: {  	s1 =	srdreg.scid  }
0x8b: {  	s0 =	sand.u32 $0x1, s1  }
0x8c: {  	s14 =	sshll.u32 s0, $0xA;
	s2 =	sadd.s32 s3, s2  }
0x8d: {  	s2 =	sadd.s32 s2, s14  }
0x8e: {  	[smem:$0x3FC6] =	sst s2  }
0x8f: {  	_ = 	snop  }
0x90: {  	s2 =	sld [smem:$0x3FD0];
	_ =	sdelay $0x2  }
0x91: {  	s15 =	simm.s32 $0xA;
	s4 =	simm.s32 $0x10  }
0x92: {  	[smem:s4], [sflag:s15] =	dma.local [hbm:s2], $0x1  }
0x93: {  	_ =	swait.eq [sflag:s15], $0x1  }
0x94: {  	[sflag:s15] =	ssyncset.done $0x0  }
0x95: {  	[sflag:s15] =	ssyncadd.s32 $0xFFFFFFFF  }
0x96: {  	s16 =	sld [smem:$0x10];
	(tm) =	ssettm $0x1  }
0x97: {  	s17 =	sld [smem:$0x3FFB];
	_ =	sdelay $0x3  }
0x98: {  	_ =	strace s17  }
0x99: {  	s3 =	sld [smem:$0x3FFC];
	_ =	sdelay $0x3  }
0x9a: {  	_ =	strace s3  }
0x9b: {  	s3 =	sld [smem:$0x3FFD];
	_ =	sdelay $0x3  }
0x9c: {  	_ =	strace s3  }
0x9d: {  	_ =	strace $0x8FFFFFFF  }
0x9e: {  	s18 =	sld [smem:$0x3FDB];
	_ =	sdelay $0x1  }
0x9f: {  	s19 =	simm.s32 $_scs_section_size  }
0xa0: {  	s5 =	simm.s32 $_size__tile_overlayer_lowered;
	s6 =	simm.s32 $_tile_overlayer_lowered  }
0xa1: {  	s22 =	simm.s32 $0x1BFF;
	s21 =	sshll.u32 s6, $0x1;
	s3 =	sadd.s32 s19, s18  }
0xa2: {  	s7 =	simm.s32 $0x0;
	s20 =	sshll.u32 s5, $0x1;
	s5 =	sadd.s32 s21, s3  }
0xa3: {  	[timem:s7], [sflag:s22] =	dma.local [hbm:s5], s20  }
0xa4: {  	_ =	swait.ge [sflag:s22], s20  }
0xa5: {  	s4 =	ssub.s32 $0x0, s20;
	[sflag:s22] =	ssyncset.done $0x0  }
0xa6: {  	[sflag:s22] =	ssyncadd.s32 s4;
	_ =	sdelay $0x1  }
0xa7: {  	s23 =	simm.s32 $0x1B8B  }
0xa8: {  	_ =	swait.ge [sflag:s23], $0x1  }
0xa9: {  	[sflag:s23] =	ssyncset.done $0x0  }
0xaa: {  	s25 =	simm.s32 $0x1B8E;
	s24 =	sld [smem:$0x3FFE];
	[sflag:s23] =	ssyncadd.s32 $0xFFFFFFFF  }
0xab: {  	s26 =	simm.s32 $execute0_lowered;
	[smem:$0x3FD2] =	sst s25  }
0xac: {  	s5 =	sshll.u32 s26, $0x1;
	_ =	strace $0x80000049;
	[dreg:$0x1] =	wrdreg $0xFFFFFFFF  }
0xad: {  	s28 =	simm.s32 $_size_execute0_lowered;
	s3 =	sadd.s32 s3, s5;
	[dreg:$0x0] =	wrdreg $0x0  }
0xae: {  	s5 =	sshll.u32 s28, $0x1;
	[dreg:$0x2] =	wrdreg s3  }
0xaf: {  	[dreg:$0x3] =	wrdreg s5  }
0xb0: {  	[dreg:$0x4] =	wrdreg $0xC0  }
0xb1: {  	_ =	task [dreg:s7], $0x5FFFF  }
0xb2: {  	[dreg:$0x1] =	wrdreg $0xFFFFFFFF  }
0xb3: {  	[dreg:$0x0] =	wrdreg $0x60  }
0xb4: {  	[dreg:$0x2] =	wrdreg s16  }
0xb5: {  	[dreg:$0x3] =	wrdreg s24  }
0xb6: {  	[dreg:$0x4] =	wrdreg $0x9  }
0xb7: {  	_ =	task.clear_ibuf [dreg:s7], $0x5FFFF;
	_ =	strace $0x90000049  }
0xb8: {  	s29 =	simm.s32 $0x9;
	_ =	strace $0x8000004B  }
0xb9: {  	_ =	swait.ge [sflag:s29], $0x1  }
0xba: {  	[sflag:s29] =	ssyncadd.s32 $0xFFFFFFFF  }
0xbb: {  	_ =	strace $0x9000004B  }
0xbc: {  	_ =	sfence  }
0xbd: {  	s30 =	sld [smem:$0x0];
	_ =	sdelay $0x2  }
0xbe: {  	s31 =	sshll.u32 s1, $0xD;
	s1 =	sshrl.u32 s1, $0x2  }
0xbf: {  	s3 =	sand.u32 $0x4000, s31;
	s1 =	sadd.s32 s1, s30  }
0xc0: {  	s0 =	sor.u32 s3, s0;
	s1 =	sshll.u32 s1, $0x11  }
0xc1: {  	s0 =	sor.u32 s1, s0  }
0xc2: {  	s0 =	sadd.s32 $0x8F2B, s0  }
0xc3: {  	[sflag:s0] =	ssyncadd.remote.s32 $0x1  }
0xc4: {  	_ =	sfence.sel $0xFFFF  }
0xc5: {  	[dreg:$0x0] =	wrdreg $0xFFFFFFFF;
	(pc) =	sbr.abs _section_cstart, $3  }
0xc6: {  	[dreg:$0x1] =	wrdreg $0xFFFFFFFF  }
0xc7: {  	_ =	task.clear_ibuf [dreg:s7], $0x2FFFF;
	_ =	strace $0x9FFFFFFF  }
0xc8: {  	(tm) =	ssettm $0x7FFFFFFF  }
0xc9: {  	_ =	shalt  }
tec
execute0_lowered:
.L_overlay_start_1:
0x0: {  	(tag) =	ssettag $0x1  }
0x1: {  	s1 =	srdreg.scid;
	s0 =	stileid.u32  }
0x2: {  	s3 =	rddreg [dreg:$0x0];
	s6 =	sand.u32 $0x1, s1;
	s30 =	sshll.u32 s0, $0x1  }
0x3: {  	s9 =	rddreg [dreg:$0x1];
	s2 =	simm.s32 $0x0;
	s10 =	sor.u32 s6, s30  }
0x4: {  	[smem:$0x7FF] =	sst s2;
	s4 =	smul.u32 $0x5, s10  }
0x5: {  	s7 =	simm.s32 $0x80;
	s1 =	rddreg [dreg:$0x2];
	_ =	strace $0x8000004A  }
0x6: {  	s11 =	ssub.s32 $0x2, s6;
	s4 =	sadd.s32 s3, s4;
	s3 =	simm.s32 $0x2  }
0x7: {  	[tilespmem:s2], [sflag:$0x2] =	stream.linear.gather [hbm4b:s4+s2], $0x28, $0x38;
	[tilespmem:$0x1480] =	vst v63  }
0x8: {  	s8 =	simm.s32 $0x1;
	s12 =	sshrl.u32 s11, $0x1;
	_ =	swait.ge [sflag:s3], $0x28  }
0x9: {  	s5 =	sadd.s32 $0x4E200, s9;
	s11 =	ssub.s32 s11, s12;
	[sflag:s3] =	ssyncset.done $0x0  }
0xa: {  	s6 =	simm.s32 $0x28;
	s31 =	smax.u32 s11, $0x1;
	[sflag:s3] =	ssyncadd.s32 $0xFFFFFFD8  }
0xb: {  	[tilespmem:s7], [sflag:$0x1] =	stream.indirect.gather [hbm4b:s5+s6], $0x80, s2, s6, $0xb8;
	[tilespmem:$0x1480] =	vst v63  }
0xc: {  	s10 =	smul.u32 $0x280, s10;
	p0 =	sne.s32 s31, $0x1;
	_ =	swait.ge [sflag:s8], $0x1400  }
.Ltmp0:
0xd: {  	[sflag:s8] =	ssyncset.done $0x0;
	(pc) =	sbr.rel @!p0 .LBB2_2-.Ltmp0, $4  }
0xe: {  	s9 =	sadd.s32 s9, s10;
	[sflag:s8] =	ssyncadd.s32 $0xFFFFEC00  }
0xf: {  	[hbm4b:s9+s2] =	stream.linear.scatter [tilespmem:s7], [sflag:$0x2], $0x1400, $0x38;
	[tilespmem:$0x1480] =	vst v63  }
0x10: {  	_ =	swait.ge [sflag:s3], $0x1400  }
0x11: {  	s10 =	sadd.s32 $0xFFFFFFFF, s31;
	[sflag:s3] =	ssyncset.done $0x0  }
.LBB2_1:
0x12: {  	p0 =	sne.s32 s10, $0x1;
	s10 =	sadd.s32 $0xFFFFFFFF, s10;
	[sflag:s3] =	ssyncadd.s32 $0xFFFFEC00  }
0x13: {  	[tilespmem:s2], [sflag:$0x2] =	stream.linear.gather [hbm4b:s4+s2], $0x28, $0x38;
	[tilespmem:$0x1480] =	vst v63  }
0x14: {  	_ =	swait.ge [sflag:s3], $0x28  }
0x15: {  	[sflag:s3] =	ssyncset.done $0x0  }
0x16: {  	[sflag:s3] =	ssyncadd.s32 $0xFFFFFFD8  }
0x17: {  	[tilespmem:s7], [sflag:$0x1] =	stream.indirect.gather [hbm4b:s5+s6], $0x80, s2, s6, $0xb8;
	[tilespmem:$0x1480] =	vst v63  }
0x18: {  	_ =	swait.ge [sflag:s8], $0x1400  }
.Ltmp1:
0x19: {  	[sflag:s8] =	ssyncset.done $0x0;
	(pc) =	sbr.rel @p0 .LBB2_1-.Ltmp1, $4  }
0x1a: {  	[sflag:s8] =	ssyncadd.s32 $0xFFFFEC00  }
0x1b: {  	[hbm4b:s9+s2] =	stream.linear.scatter [tilespmem:s7], [sflag:$0x2], $0x1400, $0x38;
	[tilespmem:$0x1480] =	vst v63  }
0x1c: {  	_ =	swait.ge [sflag:s3], $0x1400  }
0x1d: {  	[sflag:s3] =	ssyncset.done $0x0  }
.LBB2_2:
0x1e: {  	[sflag:s3] =	ssyncadd.s32 $0xFFFFEC00  }
0x1f: {  	_ =	sfence.sel $0x180000  }
0x20: {  	[bflag:$0x0] =	sbarrier.arrive $0xFFFF  }
0x21: {  	p0 =	sne.s32 s0, $0x0;
	_ =	strace $0x9000004A  }
0x22: {  	s0 =	sadd.s32 @!p0 $0x100000, s1;
	[bflag:$0x2] =	sbarrier.arrive $0xFFFF  }
0x23: {  	[sflag:s0] =	ssyncadd.tile.s32 @!p0 $0x1;
	_ =	shalt  }
.Lfunc_end2:
_tile_overlayer_lowered:
.L_overlay_start_2:
0x24: {  	(tag) =	ssettag $0x2  }
0x25: {  	s0 =	rddreg [dreg:$0x0];
	s2 =	stileid.u32  }
0x26: {  	s1 =	rddreg [dreg:$0x1];
	p0 =	sne.s32 s2, $0x0  }
0x27: {  	s3 =	rddreg [dreg:$0x2];
	[bflag:$0x3] =	sbarrier.arrive $0xFFFF;
	s2 =	simm.s32 @!p0 $0x1C02  }
0x28: {  	[timem:s3], [sflag:s2] =	dma.local @!p0 [hbm:s0], s1  }
0x29: {  	s0 =	simm.s32 @!p0 $0x2  }
0x2a: {  	_ =	swait.ge @!p0 [sflag:s0], s1  }
0x2b: {  	s1 =	ssub.s32 @!p0 $0x0, s1;
	[sflag:s0] =	ssyncset.done @!p0 $0x0  }
0x2c: {  	[sflag:s0] =	ssyncadd.s32 @!p0 s1  }
0x2d: {  	[bflag:$0x3] =	sbarrier.arrive $0xFFFF  }
0x2e: {  	_ =	shalt  }

</sc_bundles>
